<compile_context>
chip_gen: v7x
topology: tpu7x:2x2x1
jax: 0.10.2.dev20260603
libtpu: 0.0.44.dev20260713+nightly
codegen_flags: <defaults>
</compile_context>

<pallas_src>
import functools

import jax
import jax.numpy as jnp
from jax import lax
from jax.experimental import pallas as pl
from jax.experimental.pallas import tpu as pltpu
from jax.experimental.pallas import tpu_sc as plsc

D_MODEL = 512
NC = 2
NS = 16
NW = NC * NS
CHUNK = 40
NBUF = 4


def _make_lookup(B):
  b_per_w = B // NW
  n_chunks = b_per_w // CHUNK
  mesh = plsc.VectorSubcoreMesh(
      core_axis_name="c", subcore_axis_name="s", num_cores=NC,
      num_subcores=NS)

  assert n_chunks % NBUF == 0 and n_chunks >= 2 * NBUF

  @functools.partial(
      pl.kernel,
      out_type=jax.ShapeDtypeStruct((B, D_MODEL), jnp.float32),
      mesh=mesh,
      scratch_types=[
          pltpu.VMEM((b_per_w,), jnp.int32),
          pltpu.VMEM((NBUF, CHUNK, D_MODEL), jnp.float32),
          [pltpu.SemaphoreType.DMA] * NBUF,
          [pltpu.SemaphoreType.DMA] * NBUF,
      ],
  )
  def lookup(x_hbm, table_hbm, out_hbm, idx_v, rows_v, gsem, wsem):
    wid = lax.axis_index("s") * NC + lax.axis_index("c")
    base = pl.multiple_of(wid * b_per_w, 8)

    pltpu.sync_copy(x_hbm.at[pl.ds(base, b_per_w)], idx_v)

    def start_gather(c, b):
      off = pl.multiple_of(c * CHUNK, 8)
      pltpu.async_copy(
          table_hbm.at[idx_v.at[pl.ds(off, CHUNK)]], rows_v.at[b], gsem[b])

    def wait_gather(b):
      pltpu.make_async_copy(
          table_hbm.at[idx_v.at[pl.ds(0, CHUNK)]], rows_v.at[b],
          gsem[b]).wait()

    def start_write(c, b):
      off = pl.multiple_of(base + c * CHUNK, 8)
      pltpu.async_copy(rows_v.at[b], out_hbm.at[pl.ds(off, CHUNK)], wsem[b])

    def wait_write(b):
      pltpu.make_async_copy(
          rows_v.at[b], out_hbm.at[pl.ds(0, CHUNK)], wsem[b]).wait()

    def process(c, b, head=False, issue=True):
      if issue:
        b2 = (b + NBUF - 1) % NBUF
        if not head:
          wait_write(b2)
        start_gather(c + NBUF - 1, b2)
      wait_gather(b)
      start_write(c, b)

    for j in range(NBUF - 1):
      start_gather(j, j)
    for c in range(NBUF):
      process(c, c, head=(c == 0))

    def body(i, carry):
      for r in range(NBUF):
        process(NBUF * i + r, r)
      return carry

    lax.fori_loop(1, n_chunks // NBUF - 1, body, 0)
    tail = n_chunks - NBUF
    for k in range(NBUF):
      process(tail + k, k, issue=(k == 0))
      if k > 0:
        wait_write(k - 1)
    wait_write(NBUF - 1)

  return lookup


def kernel(x, table):
  orig_shape = x.shape
  flat = x.reshape(-1).astype(jnp.int32)
  out = _make_lookup(flat.shape[0])(flat, table)
  return out.reshape(*orig_shape, D_MODEL)

# --- scband reference (transcript-rebuilt; emitter-appended) ---
"""Pipeline reference for scband-embedder-14216341750510 (READ-ONLY COPY).

The authoritative reference and input builder live on the scoring server;
editing this copy changes nothing except your own understanding.
"""

import jax, jax.numpy as jnp
import numpy as np

VOCAB = 100000
D_MODEL = 512

def setup_inputs(seed: int = 0) -> dict:
    key = jax.random.key(seed)
    k_idx, k_tab = jax.random.split(key)
    x = jax.random.randint(k_idx, (4096, 200), 0, VOCAB, dtype=jnp.int64 if jax.config.jax_enable_x64 else jnp.int32)
    table = jax.random.normal(k_tab, (VOCAB, D_MODEL), dtype=jnp.float32)
    return {"x": x, "table": table}

def reference(x, table):
    # nn.Embedding forward: gather rows of the embedding table by index
    return jnp.take(table, x, axis=0)

if __name__ == "__main__":
    import jax
    _d = setup_inputs()
    print(jax.jit(kernel)(*tuple(_d.values())))

</pallas_src>

<mosaic_0001>
#map = affine_map<(d0, d1) -> (0)>
#map1 = affine_map<(d0, d1) -> (0, 0)>
module attributes {stable_mosaic.version = 14 : i64} {
  func.func @lookup(%arg0: i32, %arg1: i32, %arg2: memref<819200xi32, #tpu.memory_space<hbm>>, %arg3: memref<100000x512xf32, #tpu.memory_space<hbm>>, %arg4: memref<819200x512xf32, #tpu.memory_space<hbm>>, %arg5: memref<25600xi32, #tpu.memory_space<vmem>>, %arg6: memref<4x40x512xf32, #tpu.memory_space<vmem>>, %arg7: memref<!tpu.dma_semaphore, #tpu.memory_space<semaphore_mem>>, %arg8: memref<!tpu.dma_semaphore, #tpu.memory_space<semaphore_mem>>, %arg9: memref<!tpu.dma_semaphore, #tpu.memory_space<semaphore_mem>>, %arg10: memref<!tpu.dma_semaphore, #tpu.memory_space<semaphore_mem>>, %arg11: memref<!tpu.dma_semaphore, #tpu.memory_space<semaphore_mem>>, %arg12: memref<!tpu.dma_semaphore, #tpu.memory_space<semaphore_mem>>, %arg13: memref<!tpu.dma_semaphore, #tpu.memory_space<semaphore_mem>>, %arg14: memref<!tpu.dma_semaphore, #tpu.memory_space<semaphore_mem>>) attributes {dimension_semantics = [#tpu.dimension_semantics<core_parallel>, #tpu.dimension_semantics<subcore_parallel>], iteration_bounds = array<i64: 2, 16>, scalar_prefetch = 0 : i64, scratch_operands = 10 : i64, tpu.core_type = #tpu.core_type<sc_vector_subcore>, window_params = [{transform_indices = #map}, {transform_indices = #map1}, {transform_indices = #map1}]} {
    %mul3A = arith.constant 2 : i32
    %mul3A_0 = arith.muli %arg1, %mul3A : i32
    %add3A = arith.addi %mul3A_0, %arg0 : i32
    %mul3A_1 = arith.constant 25600 : i32
    %mul3A_2 = arith.muli %add3A, %mul3A_1 : i32
    %multiple_of3A = tpu.assume_multiple %mul3A_2, 8 : i32
    "tpu.region"() ({
      %run_scoped3A = tpu.sem_alloc : memref<!tpu.dma_semaphore, #tpu.memory_space<semaphore_mem>>
      %dma_start3A_422 = tpu.memref_slice %arg2[%multiple_of3A] : memref<819200xi32, #tpu.memory_space<hbm>> -> memref<25600xi32, #tpu.memory_space<hbm>>
      %dma_start3A_423 = tpu.memref_slice %arg2[%multiple_of3A] : memref<819200xi32, #tpu.memory_space<hbm>> -> memref<25600xi32, #tpu.memory_space<hbm>>
      tpu.enqueue_dma source(%dma_start3A_423 : memref<25600xi32, #tpu.memory_space<hbm>>) target(%arg5 : memref<25600xi32, #tpu.memory_space<vmem>>) target_semaphore(%run_scoped3A : memref<!tpu.dma_semaphore, #tpu.memory_space<semaphore_mem>>)
      %dma_wait3A_424 = tpu.memref_slice %arg2[%multiple_of3A] : memref<819200xi32, #tpu.memory_space<hbm>> -> memref<25600xi32, #tpu.memory_space<hbm>>
      %dma_wait3A_425 = tpu.memref_slice %arg2[%multiple_of3A] : memref<819200xi32, #tpu.memory_space<hbm>> -> memref<25600xi32, #tpu.memory_space<hbm>>
      tpu.wait_dma2 semaphore(%run_scoped3A : memref<!tpu.dma_semaphore, #tpu.memory_space<semaphore_mem>>) src(%dma_wait3A_425 : memref<25600xi32, #tpu.memory_space<hbm>>) dst(%arg5 : memref<25600xi32, #tpu.memory_space<vmem>>)
      tpu.yield
    }) : () -> ()
    %multiple_of3A_3 = arith.constant 0 : i32
    %multiple_of3A_4 = tpu.assume_multiple %multiple_of3A_3, 8 : i32
    %dma_start3A = arith.constant 0 : i32
    %dma_start3A_5 = arith.constant 0 : i32
    %dma_start3A_6 = arith.constant 0 : i32
    %dma_start3A_7 = tpu.memref_slice %arg6[%dma_start3A, %dma_start3A_5, %dma_start3A_6] : memref<4x40x512xf32, #tpu.memory_space<vmem>> -> memref<1x40x512xf32, #tpu.memory_space<vmem>>
    %dma_start3A_8 = tpu.memref_squeeze %dma_start3A_7 : memref<1x40x512xf32, #tpu.memory_space<vmem>> -> memref<40x512xf32, #tpu.memory_space<vmem>>
    %dma_start3A_9 = tpu.memref_slice %arg5[%multiple_of3A_4] : memref<25600xi32, #tpu.memory_space<vmem>> -> memref<40xi32, #tpu.memory_space<vmem>>
    %dma_start3A_10 = arith.constant 0 : i32
    %dma_start3A_11 = arith.constant 0 : i32
    %dma_start3A_12 = tpu.memref_slice %arg3[%dma_start3A_10, %dma_start3A_11] : memref<100000x512xf32, #tpu.memory_space<hbm>> -> memref<100000x512xf32, #tpu.memory_space<hbm>>
    tpu.enqueue_indirect_dma source(%dma_start3A_12 : memref<100000x512xf32, #tpu.memory_space<hbm>>) target(%dma_start3A_8 : memref<40x512xf32, #tpu.memory_space<vmem>>) offsets(%dma_start3A_9 : memref<40xi32, #tpu.memory_space<vmem>>) semaphore(%arg7 : memref<!tpu.dma_semaphore, #tpu.memory_space<semaphore_mem>>)
    %multiple_of3A_13 = arith.constant 40 : i32
    %multiple_of3A_14 = tpu.assume_multiple %multiple_of3A_13, 8 : i32
    %dma_start3A_15 = arith.constant 1 : i32
    %dma_start3A_16 = arith.constant 0 : i32
    %dma_start3A_17 = arith.constant 0 : i32
    %dma_start3A_18 = tpu.memref_slice %arg6[%dma_start3A_15, %dma_start3A_16, %dma_start3A_17] : memref<4x40x512xf32, #tpu.memory_space<vmem>> -> memref<1x40x512xf32, #tpu.memory_space<vmem>>
    %dma_start3A_19 = tpu.memref_squeeze %dma_start3A_18 : memref<1x40x512xf32, #tpu.memory_space<vmem>> -> memref<40x512xf32, #tpu.memory_space<vmem>>
    %dma_start3A_20 = tpu.memref_slice %arg5[%multiple_of3A_14] : memref<25600xi32, #tpu.memory_space<vmem>> -> memref<40xi32, #tpu.memory_space<vmem>>
    %dma_start3A_21 = arith.constant 0 : i32
    %dma_start3A_22 = arith.constant 0 : i32
    %dma_start3A_23 = tpu.memref_slice %arg3[%dma_start3A_21, %dma_start3A_22] : memref<100000x512xf32, #tpu.memory_space<hbm>> -> memref<100000x512xf32, #tpu.memory_space<hbm>>
    tpu.enqueue_indirect_dma source(%dma_start3A_23 : memref<100000x512xf32, #tpu.memory_space<hbm>>) target(%dma_start3A_19 : memref<40x512xf32, #tpu.memory_space<vmem>>) offsets(%dma_start3A_20 : memref<40xi32, #tpu.memory_space<vmem>>) semaphore(%arg8 : memref<!tpu.dma_semaphore, #tpu.memory_space<semaphore_mem>>)
    %multiple_of3A_24 = arith.constant 80 : i32
    %multiple_of3A_25 = tpu.assume_multiple %multiple_of3A_24, 8 : i32
    %dma_start3A_26 = arith.constant 2 : i32
    %dma_start3A_27 = arith.constant 0 : i32
    %dma_start3A_28 = arith.constant 0 : i32
    %dma_start3A_29 = tpu.memref_slice %arg6[%dma_start3A_26, %dma_start3A_27, %dma_start3A_28] : memref<4x40x512xf32, #tpu.memory_space<vmem>> -> memref<1x40x512xf32, #tpu.memory_space<vmem>>
    %dma_start3A_30 = tpu.memref_squeeze %dma_start3A_29 : memref<1x40x512xf32, #tpu.memory_space<vmem>> -> memref<40x512xf32, #tpu.memory_space<vmem>>
    %dma_start3A_31 = tpu.memref_slice %arg5[%multiple_of3A_25] : memref<25600xi32, #tpu.memory_space<vmem>> -> memref<40xi32, #tpu.memory_space<vmem>>
    %dma_start3A_32 = arith.constant 0 : i32
    %dma_start3A_33 = arith.constant 0 : i32
    %dma_start3A_34 = tpu.memref_slice %arg3[%dma_start3A_32, %dma_start3A_33] : memref<100000x512xf32, #tpu.memory_space<hbm>> -> memref<100000x512xf32, #tpu.memory_space<hbm>>
    tpu.enqueue_indirect_dma source(%dma_start3A_34 : memref<100000x512xf32, #tpu.memory_space<hbm>>) target(%dma_start3A_30 : memref<40x512xf32, #tpu.memory_space<vmem>>) offsets(%dma_start3A_31 : memref<40xi32, #tpu.memory_space<vmem>>) semaphore(%arg9 : memref<!tpu.dma_semaphore, #tpu.memory_space<semaphore_mem>>)
    %multiple_of3A_35 = arith.constant 120 : i32
    %multiple_of3A_36 = tpu.assume_multiple %multiple_of3A_35, 8 : i32
    %dma_start3A_37 = arith.constant 3 : i32
    %dma_start3A_38 = arith.constant 0 : i32
    %dma_start3A_39 = arith.constant 0 : i32
    %dma_start3A_40 = tpu.memref_slice %arg6[%dma_start3A_37, %dma_start3A_38, %dma_start3A_39] : memref<4x40x512xf32, #tpu.memory_space<vmem>> -> memref<1x40x512xf32, #tpu.memory_space<vmem>>
    %dma_start3A_41 = tpu.memref_squeeze %dma_start3A_40 : memref<1x40x512xf32, #tpu.memory_space<vmem>> -> memref<40x512xf32, #tpu.memory_space<vmem>>
    %dma_start3A_42 = tpu.memref_slice %arg5[%multiple_of3A_36] : memref<25600xi32, #tpu.memory_space<vmem>> -> memref<40xi32, #tpu.memory_space<vmem>>
    %dma_start3A_43 = arith.constant 0 : i32
    %dma_start3A_44 = arith.constant 0 : i32
    %dma_start3A_45 = tpu.memref_slice %arg3[%dma_start3A_43, %dma_start3A_44] : memref<100000x512xf32, #tpu.memory_space<hbm>> -> memref<100000x512xf32, #tpu.memory_space<hbm>>
    tpu.enqueue_indirect_dma source(%dma_start3A_45 : memref<100000x512xf32, #tpu.memory_space<hbm>>) target(%dma_start3A_41 : memref<40x512xf32, #tpu.memory_space<vmem>>) offsets(%dma_start3A_42 : memref<40xi32, #tpu.memory_space<vmem>>) semaphore(%arg10 : memref<!tpu.dma_semaphore, #tpu.memory_space<semaphore_mem>>)
    %dma_wait3A = arith.constant 0 : i32
    %dma_wait3A_46 = arith.constant 0 : i32
    %dma_wait3A_47 = arith.constant 0 : i32
    %dma_wait3A_48 = tpu.memref_slice %arg6[%dma_wait3A, %dma_wait3A_46, %dma_wait3A_47] : memref<4x40x512xf32, #tpu.memory_space<vmem>> -> memref<1x40x512xf32, #tpu.memory_space<vmem>>
    %dma_wait3A_49 = tpu.memref_squeeze %dma_wait3A_48 : memref<1x40x512xf32, #tpu.memory_space<vmem>> -> memref<40x512xf32, #tpu.memory_space<vmem>>
    %dma_wait3A_50 = arith.constant 0 : i32
    %dma_wait3A_51 = tpu.memref_slice %arg5[%dma_wait3A_50] : memref<25600xi32, #tpu.memory_space<vmem>> -> memref<40xi32, #tpu.memory_space<vmem>>
    %dma_wait3A_52 = arith.constant 0 : i32
    %dma_wait3A_53 = arith.constant 0 : i32
    %dma_wait3A_54 = tpu.memref_slice %arg3[%dma_wait3A_52, %dma_wait3A_53] : memref<100000x512xf32, #tpu.memory_space<hbm>> -> memref<100000x512xf32, #tpu.memory_space<hbm>>
    tpu.wait_indirect_dma semaphore(%arg7 : memref<!tpu.dma_semaphore, #tpu.memory_space<semaphore_mem>>) src(%dma_wait3A_54 : memref<100000x512xf32, #tpu.memory_space<hbm>>) dst(%dma_wait3A_49 : memref<40x512xf32, #tpu.memory_space<vmem>>)
    %add3A_55 = arith.constant 0 : i32
    %add3A_56 = arith.addi %multiple_of3A, %add3A_55 : i32
    %multiple_of3A_57 = tpu.assume_multiple %add3A_56, 8 : i32
    %dma_start3A_58 = arith.constant 0 : i32
    %dma_start3A_59 = arith.constant 0 : i32
    %dma_start3A_60 = arith.constant 0 : i32
    %dma_start3A_61 = tpu.memref_slice %arg6[%dma_start3A_58, %dma_start3A_59, %dma_start3A_60] : memref<4x40x512xf32, #tpu.memory_space<vmem>> -> memref<1x40x512xf32, #tpu.memory_space<vmem>>
    %dma_start3A_62 = tpu.memref_squeeze %dma_start3A_61 : memref<1x40x512xf32, #tpu.memory_space<vmem>> -> memref<40x512xf32, #tpu.memory_space<vmem>>
    %dma_start3A_63 = arith.constant 0 : i32
    %dma_start3A_64 = tpu.memref_slice %arg4[%multiple_of3A_57, %dma_start3A_63] : memref<819200x512xf32, #tpu.memory_space<hbm>> -> memref<40x512xf32, #tpu.memory_space<hbm>>
    %dma_start3A_65 = arith.constant 0 : i32
    %dma_start3A_66 = tpu.memref_slice %arg4[%multiple_of3A_57, %dma_start3A_65] : memref<819200x512xf32, #tpu.memory_space<hbm>> -> memref<40x512xf32, #tpu.memory_space<hbm>>
    %dma_start3A_67 = arith.constant 0 : i32
    %dma_start3A_68 = arith.constant 0 : i32
    %dma_start3A_69 = tpu.memref_slice %arg6[%dma_start3A_58, %dma_start3A_67, %dma_start3A_68] : memref<4x40x512xf32, #tpu.memory_space<vmem>> -> memref<1x40x512xf32, #tpu.memory_space<vmem>>
    %dma_start3A_70 = tpu.memref_squeeze %dma_start3A_69 : memref<1x40x512xf32, #tpu.memory_space<vmem>> -> memref<40x512xf32, #tpu.memory_space<vmem>>
    tpu.enqueue_dma source(%dma_start3A_70 : memref<40x512xf32, #tpu.memory_space<vmem>>) target(%dma_start3A_66 : memref<40x512xf32, #tpu.memory_space<hbm>>) target_semaphore(%arg11 : memref<!tpu.dma_semaphore, #tpu.memory_space<semaphore_mem>>)
    %dma_wait3A_71 = arith.constant 0 : i32
    %dma_wait3A_72 = arith.constant 0 : i32
    %dma_wait3A_73 = arith.constant 0 : i32
    %dma_wait3A_74 = tpu.memref_slice %arg6[%dma_wait3A_71, %dma_wait3A_72, %dma_wait3A_73] : memref<4x40x512xf32, #tpu.memory_space<vmem>> -> memref<1x40x512xf32, #tpu.memory_space<vmem>>
    %dma_wait3A_75 = tpu.memref_squeeze %dma_wait3A_74 : memref<1x40x512xf32, #tpu.memory_space<vmem>> -> memref<40x512xf32, #tpu.memory_space<vmem>>
    %dma_wait3A_76 = arith.constant 0 : i32
    %dma_wait3A_77 = arith.constant 0 : i32
    %dma_wait3A_78 = tpu.memref_slice %arg4[%dma_wait3A_76, %dma_wait3A_77] : memref<819200x512xf32, #tpu.memory_space<hbm>> -> memref<40x512xf32, #tpu.memory_space<hbm>>
    %dma_wait3A_79 = arith.constant 0 : i32
    %dma_wait3A_80 = arith.constant 0 : i32
    %dma_wait3A_81 = tpu.memref_slice %arg4[%dma_wait3A_79, %dma_wait3A_80] : memref<819200x512xf32, #tpu.memory_space<hbm>> -> memref<40x512xf32, #tpu.memory_space<hbm>>
    %dma_wait3A_82 = arith.constant 0 : i32
    %dma_wait3A_83 = arith.constant 0 : i32
    %dma_wait3A_84 = tpu.memref_slice %arg6[%dma_wait3A_71, %dma_wait3A_82, %dma_wait3A_83] : memref<4x40x512xf32, #tpu.memory_space<vmem>> -> memref<1x40x512xf32, #tpu.memory_space<vmem>>
    %dma_wait3A_85 = tpu.memref_squeeze %dma_wait3A_84 : memref<1x40x512xf32, #tpu.memory_space<vmem>> -> memref<40x512xf32, #tpu.memory_space<vmem>>
    tpu.wait_dma2 semaphore(%arg11 : memref<!tpu.dma_semaphore, #tpu.memory_space<semaphore_mem>>) src(%dma_wait3A_85 : memref<40x512xf32, #tpu.memory_space<vmem>>) dst(%dma_wait3A_81 : memref<40x512xf32, #tpu.memory_space<hbm>>)
    %multiple_of3A_86 = arith.constant 160 : i32
    %multiple_of3A_87 = tpu.assume_multiple %multiple_of3A_86, 8 : i32
    %dma_start3A_88 = arith.constant 0 : i32
    %dma_start3A_89 = arith.constant 0 : i32
    %dma_start3A_90 = arith.constant 0 : i32
    %dma_start3A_91 = tpu.memref_slice %arg6[%dma_start3A_88, %dma_start3A_89, %dma_start3A_90] : memref<4x40x512xf32, #tpu.memory_space<vmem>> -> memref<1x40x512xf32, #tpu.memory_space<vmem>>
    %dma_start3A_92 = tpu.memref_squeeze %dma_start3A_91 : memref<1x40x512xf32, #tpu.memory_space<vmem>> -> memref<40x512xf32, #tpu.memory_space<vmem>>
    %dma_start3A_93 = tpu.memref_slice %arg5[%multiple_of3A_87] : memref<25600xi32, #tpu.memory_space<vmem>> -> memref<40xi32, #tpu.memory_space<vmem>>
    %dma_start3A_94 = arith.constant 0 : i32
    %dma_start3A_95 = arith.constant 0 : i32
    %dma_start3A_96 = tpu.memref_slice %arg3[%dma_start3A_94, %dma_start3A_95] : memref<100000x512xf32, #tpu.memory_space<hbm>> -> memref<100000x512xf32, #tpu.memory_space<hbm>>
    tpu.enqueue_indirect_dma source(%dma_start3A_96 : memref<100000x512xf32, #tpu.memory_space<hbm>>) target(%dma_start3A_92 : memref<40x512xf32, #tpu.memory_space<vmem>>) offsets(%dma_start3A_93 : memref<40xi32, #tpu.memory_space<vmem>>) semaphore(%arg7 : memref<!tpu.dma_semaphore, #tpu.memory_space<semaphore_mem>>)
    %dma_wait3A_97 = arith.constant 1 : i32
    %dma_wait3A_98 = arith.constant 0 : i32
    %dma_wait3A_99 = arith.constant 0 : i32
    %dma_wait3A_100 = tpu.memref_slice %arg6[%dma_wait3A_97, %dma_wait3A_98, %dma_wait3A_99] : memref<4x40x512xf32, #tpu.memory_space<vmem>> -> memref<1x40x512xf32, #tpu.memory_space<vmem>>
    %dma_wait3A_101 = tpu.memref_squeeze %dma_wait3A_100 : memref<1x40x512xf32, #tpu.memory_space<vmem>> -> memref<40x512xf32, #tpu.memory_space<vmem>>
    %dma_wait3A_102 = arith.constant 0 : i32
    %dma_wait3A_103 = tpu.memref_slice %arg5[%dma_wait3A_102] : memref<25600xi32, #tpu.memory_space<vmem>> -> memref<40xi32, #tpu.memory_space<vmem>>
    %dma_wait3A_104 = arith.constant 0 : i32
    %dma_wait3A_105 = arith.constant 0 : i32
    %dma_wait3A_106 = tpu.memref_slice %arg3[%dma_wait3A_104, %dma_wait3A_105] : memref<100000x512xf32, #tpu.memory_space<hbm>> -> memref<100000x512xf32, #tpu.memory_space<hbm>>
    tpu.wait_indirect_dma semaphore(%arg8 : memref<!tpu.dma_semaphore, #tpu.memory_space<semaphore_mem>>) src(%dma_wait3A_106 : memref<100000x512xf32, #tpu.memory_space<hbm>>) dst(%dma_wait3A_101 : memref<40x512xf32, #tpu.memory_space<vmem>>)
    %add3A_107 = arith.constant 40 : i32
    %add3A_108 = arith.addi %multiple_of3A, %add3A_107 : i32
    %multiple_of3A_109 = tpu.assume_multiple %add3A_108, 8 : i32
    %dma_start3A_110 = arith.constant 1 : i32
    %dma_start3A_111 = arith.constant 0 : i32
    %dma_start3A_112 = arith.constant 0 : i32
    %dma_start3A_113 = tpu.memref_slice %arg6[%dma_start3A_110, %dma_start3A_111, %dma_start3A_112] : memref<4x40x512xf32, #tpu.memory_space<vmem>> -> memref<1x40x512xf32, #tpu.memory_space<vmem>>
    %dma_start3A_114 = tpu.memref_squeeze %dma_start3A_113 : memref<1x40x512xf32, #tpu.memory_space<vmem>> -> memref<40x512xf32, #tpu.memory_space<vmem>>
    %dma_start3A_115 = arith.constant 0 : i32
    %dma_start3A_116 = tpu.memref_slice %arg4[%multiple_of3A_109, %dma_start3A_115] : memref<819200x512xf32, #tpu.memory_space<hbm>> -> memref<40x512xf32, #tpu.memory_space<hbm>>
    %dma_start3A_117 = arith.constant 0 : i32
    %dma_start3A_118 = tpu.memref_slice %arg4[%multiple_of3A_109, %dma_start3A_117] : memref<819200x512xf32, #tpu.memory_space<hbm>> -> memref<40x512xf32, #tpu.memory_space<hbm>>
    %dma_start3A_119 = arith.constant 0 : i32
    %dma_start3A_120 = arith.constant 0 : i32
    %dma_start3A_121 = tpu.memref_slice %arg6[%dma_start3A_110, %dma_start3A_119, %dma_start3A_120] : memref<4x40x512xf32, #tpu.memory_space<vmem>> -> memref<1x40x512xf32, #tpu.memory_space<vmem>>
    %dma_start3A_122 = tpu.memref_squeeze %dma_start3A_121 : memref<1x40x512xf32, #tpu.memory_space<vmem>> -> memref<40x512xf32, #tpu.memory_space<vmem>>
    tpu.enqueue_dma source(%dma_start3A_122 : memref<40x512xf32, #tpu.memory_space<vmem>>) target(%dma_start3A_118 : memref<40x512xf32, #tpu.memory_space<hbm>>) target_semaphore(%arg12 : memref<!tpu.dma_semaphore, #tpu.memory_space<semaphore_mem>>)
    %dma_wait3A_123 = arith.constant 1 : i32
    %dma_wait3A_124 = arith.constant 0 : i32
    %dma_wait3A_125 = arith.constant 0 : i32
    %dma_wait3A_126 = tpu.memref_slice %arg6[%dma_wait3A_123, %dma_wait3A_124, %dma_wait3A_125] : memref<4x40x512xf32, #tpu.memory_space<vmem>> -> memref<1x40x512xf32, #tpu.memory_space<vmem>>
    %dma_wait3A_127 = tpu.memref_squeeze %dma_wait3A_126 : memref<1x40x512xf32, #tpu.memory_space<vmem>> -> memref<40x512xf32, #tpu.memory_space<vmem>>
    %dma_wait3A_128 = arith.constant 0 : i32
    %dma_wait3A_129 = arith.constant 0 : i32
    %dma_wait3A_130 = tpu.memref_slice %arg4[%dma_wait3A_128, %dma_wait3A_129] : memref<819200x512xf32, #tpu.memory_space<hbm>> -> memref<40x512xf32, #tpu.memory_space<hbm>>
    %dma_wait3A_131 = arith.constant 0 : i32
    %dma_wait3A_132 = arith.constant 0 : i32
    %dma_wait3A_133 = tpu.memref_slice %arg4[%dma_wait3A_131, %dma_wait3A_132] : memref<819200x512xf32, #tpu.memory_space<hbm>> -> memref<40x512xf32, #tpu.memory_space<hbm>>
    %dma_wait3A_134 = arith.constant 0 : i32
    %dma_wait3A_135 = arith.constant 0 : i32
    %dma_wait3A_136 = tpu.memref_slice %arg6[%dma_wait3A_123, %dma_wait3A_134, %dma_wait3A_135] : memref<4x40x512xf32, #tpu.memory_space<vmem>> -> memref<1x40x512xf32, #tpu.memory_space<vmem>>
    %dma_wait3A_137 = tpu.memref_squeeze %dma_wait3A_136 : memref<1x40x512xf32, #tpu.memory_space<vmem>> -> memref<40x512xf32, #tpu.memory_space<vmem>>
    tpu.wait_dma2 semaphore(%arg12 : memref<!tpu.dma_semaphore, #tpu.memory_space<semaphore_mem>>) src(%dma_wait3A_137 : memref<40x512xf32, #tpu.memory_space<vmem>>) dst(%dma_wait3A_133 : memref<40x512xf32, #tpu.memory_space<hbm>>)
    %multiple_of3A_138 = arith.constant 200 : i32
    %multiple_of3A_139 = tpu.assume_multiple %multiple_of3A_138, 8 : i32
    %dma_start3A_140 = arith.constant 1 : i32
    %dma_start3A_141 = arith.constant 0 : i32
    %dma_start3A_142 = arith.constant 0 : i32
    %dma_start3A_143 = tpu.memref_slice %arg6[%dma_start3A_140, %dma_start3A_141, %dma_start3A_142] : memref<4x40x512xf32, #tpu.memory_space<vmem>> -> memref<1x40x512xf32, #tpu.memory_space<vmem>>
    %dma_start3A_144 = tpu.memref_squeeze %dma_start3A_143 : memref<1x40x512xf32, #tpu.memory_space<vmem>> -> memref<40x512xf32, #tpu.memory_space<vmem>>
    %dma_start3A_145 = tpu.memref_slice %arg5[%multiple_of3A_139] : memref<25600xi32, #tpu.memory_space<vmem>> -> memref<40xi32, #tpu.memory_space<vmem>>
    %dma_start3A_146 = arith.constant 0 : i32
    %dma_start3A_147 = arith.constant 0 : i32
    %dma_start3A_148 = tpu.memref_slice %arg3[%dma_start3A_146, %dma_start3A_147] : memref<100000x512xf32, #tpu.memory_space<hbm>> -> memref<100000x512xf32, #tpu.memory_space<hbm>>
    tpu.enqueue_indirect_dma source(%dma_start3A_148 : memref<100000x512xf32, #tpu.memory_space<hbm>>) target(%dma_start3A_144 : memref<40x512xf32, #tpu.memory_space<vmem>>) offsets(%dma_start3A_145 : memref<40xi32, #tpu.memory_space<vmem>>) semaphore(%arg8 : memref<!tpu.dma_semaphore, #tpu.memory_space<semaphore_mem>>)
    %dma_wait3A_149 = arith.constant 2 : i32
    %dma_wait3A_150 = arith.constant 0 : i32
    %dma_wait3A_151 = arith.constant 0 : i32
    %dma_wait3A_152 = tpu.memref_slice %arg6[%dma_wait3A_149, %dma_wait3A_150, %dma_wait3A_151] : memref<4x40x512xf32, #tpu.memory_space<vmem>> -> memref<1x40x512xf32, #tpu.memory_space<vmem>>
    %dma_wait3A_153 = tpu.memref_squeeze %dma_wait3A_152 : memref<1x40x512xf32, #tpu.memory_space<vmem>> -> memref<40x512xf32, #tpu.memory_space<vmem>>
    %dma_wait3A_154 = arith.constant 0 : i32
    %dma_wait3A_155 = tpu.memref_slice %arg5[%dma_wait3A_154] : memref<25600xi32, #tpu.memory_space<vmem>> -> memref<40xi32, #tpu.memory_space<vmem>>
    %dma_wait3A_156 = arith.constant 0 : i32
    %dma_wait3A_157 = arith.constant 0 : i32
    %dma_wait3A_158 = tpu.memref_slice %arg3[%dma_wait3A_156, %dma_wait3A_157] : memref<100000x512xf32, #tpu.memory_space<hbm>> -> memref<100000x512xf32, #tpu.memory_space<hbm>>
    tpu.wait_indirect_dma semaphore(%arg9 : memref<!tpu.dma_semaphore, #tpu.memory_space<semaphore_mem>>) src(%dma_wait3A_158 : memref<100000x512xf32, #tpu.memory_space<hbm>>) dst(%dma_wait3A_153 : memref<40x512xf32, #tpu.memory_space<vmem>>)
    %add3A_159 = arith.constant 80 : i32
    %add3A_160 = arith.addi %multiple_of3A, %add3A_159 : i32
    %multiple_of3A_161 = tpu.assume_multiple %add3A_160, 8 : i32
    %dma_start3A_162 = arith.constant 2 : i32
    %dma_start3A_163 = arith.constant 0 : i32
    %dma_start3A_164 = arith.constant 0 : i32
    %dma_start3A_165 = tpu.memref_slice %arg6[%dma_start3A_162, %dma_start3A_163, %dma_start3A_164] : memref<4x40x512xf32, #tpu.memory_space<vmem>> -> memref<1x40x512xf32, #tpu.memory_space<vmem>>
    %dma_start3A_166 = tpu.memref_squeeze %dma_start3A_165 : memref<1x40x512xf32, #tpu.memory_space<vmem>> -> memref<40x512xf32, #tpu.memory_space<vmem>>
    %dma_start3A_167 = arith.constant 0 : i32
    %dma_start3A_168 = tpu.memref_slice %arg4[%multiple_of3A_161, %dma_start3A_167] : memref<819200x512xf32, #tpu.memory_space<hbm>> -> memref<40x512xf32, #tpu.memory_space<hbm>>
    %dma_start3A_169 = arith.constant 0 : i32
    %dma_start3A_170 = tpu.memref_slice %arg4[%multiple_of3A_161, %dma_start3A_169] : memref<819200x512xf32, #tpu.memory_space<hbm>> -> memref<40x512xf32, #tpu.memory_space<hbm>>
    %dma_start3A_171 = arith.constant 0 : i32
    %dma_start3A_172 = arith.constant 0 : i32
    %dma_start3A_173 = tpu.memref_slice %arg6[%dma_start3A_162, %dma_start3A_171, %dma_start3A_172] : memref<4x40x512xf32, #tpu.memory_space<vmem>> -> memref<1x40x512xf32, #tpu.memory_space<vmem>>
    %dma_start3A_174 = tpu.memref_squeeze %dma_start3A_173 : memref<1x40x512xf32, #tpu.memory_space<vmem>> -> memref<40x512xf32, #tpu.memory_space<vmem>>
    tpu.enqueue_dma source(%dma_start3A_174 : memref<40x512xf32, #tpu.memory_space<vmem>>) target(%dma_start3A_170 : memref<40x512xf32, #tpu.memory_space<hbm>>) target_semaphore(%arg13 : memref<!tpu.dma_semaphore, #tpu.memory_space<semaphore_mem>>)
    %dma_wait3A_175 = arith.constant 2 : i32
    %dma_wait3A_176 = arith.constant 0 : i32
    %dma_wait3A_177 = arith.constant 0 : i32
    %dma_wait3A_178 = tpu.memref_slice %arg6[%dma_wait3A_175, %dma_wait3A_176, %dma_wait3A_177] : memref<4x40x512xf32, #tpu.memory_space<vmem>> -> memref<1x40x512xf32, #tpu.memory_space<vmem>>
    %dma_wait3A_179 = tpu.memref_squeeze %dma_wait3A_178 : memref<1x40x512xf32, #tpu.memory_space<vmem>> -> memref<40x512xf32, #tpu.memory_space<vmem>>
    %dma_wait3A_180 = arith.constant 0 : i32
    %dma_wait3A_181 = arith.constant 0 : i32
    %dma_wait3A_182 = tpu.memref_slice %arg4[%dma_wait3A_180, %dma_wait3A_181] : memref<819200x512xf32, #tpu.memory_space<hbm>> -> memref<40x512xf32, #tpu.memory_space<hbm>>
    %dma_wait3A_183 = arith.constant 0 : i32
    %dma_wait3A_184 = arith.constant 0 : i32
    %dma_wait3A_185 = tpu.memref_slice %arg4[%dma_wait3A_183, %dma_wait3A_184] : memref<819200x512xf32, #tpu.memory_space<hbm>> -> memref<40x512xf32, #tpu.memory_space<hbm>>
    %dma_wait3A_186 = arith.constant 0 : i32
    %dma_wait3A_187 = arith.constant 0 : i32
    %dma_wait3A_188 = tpu.memref_slice %arg6[%dma_wait3A_175, %dma_wait3A_186, %dma_wait3A_187] : memref<4x40x512xf32, #tpu.memory_space<vmem>> -> memref<1x40x512xf32, #tpu.memory_space<vmem>>
    %dma_wait3A_189 = tpu.memref_squeeze %dma_wait3A_188 : memref<1x40x512xf32, #tpu.memory_space<vmem>> -> memref<40x512xf32, #tpu.memory_space<vmem>>
    tpu.wait_dma2 semaphore(%arg13 : memref<!tpu.dma_semaphore, #tpu.memory_space<semaphore_mem>>) src(%dma_wait3A_189 : memref<40x512xf32, #tpu.memory_space<vmem>>) dst(%dma_wait3A_185 : memref<40x512xf32, #tpu.memory_space<hbm>>)
    %multiple_of3A_190 = arith.constant 240 : i32
    %multiple_of3A_191 = tpu.assume_multiple %multiple_of3A_190, 8 : i32
    %dma_start3A_192 = arith.constant 2 : i32
    %dma_start3A_193 = arith.constant 0 : i32
    %dma_start3A_194 = arith.constant 0 : i32
    %dma_start3A_195 = tpu.memref_slice %arg6[%dma_start3A_192, %dma_start3A_193, %dma_start3A_194] : memref<4x40x512xf32, #tpu.memory_space<vmem>> -> memref<1x40x512xf32, #tpu.memory_space<vmem>>
    %dma_start3A_196 = tpu.memref_squeeze %dma_start3A_195 : memref<1x40x512xf32, #tpu.memory_space<vmem>> -> memref<40x512xf32, #tpu.memory_space<vmem>>
    %dma_start3A_197 = tpu.memref_slice %arg5[%multiple_of3A_191] : memref<25600xi32, #tpu.memory_space<vmem>> -> memref<40xi32, #tpu.memory_space<vmem>>
    %dma_start3A_198 = arith.constant 0 : i32
    %dma_start3A_199 = arith.constant 0 : i32
    %dma_start3A_200 = tpu.memref_slice %arg3[%dma_start3A_198, %dma_start3A_199] : memref<100000x512xf32, #tpu.memory_space<hbm>> -> memref<100000x512xf32, #tpu.memory_space<hbm>>
    tpu.enqueue_indirect_dma source(%dma_start3A_200 : memref<100000x512xf32, #tpu.memory_space<hbm>>) target(%dma_start3A_196 : memref<40x512xf32, #tpu.memory_space<vmem>>) offsets(%dma_start3A_197 : memref<40xi32, #tpu.memory_space<vmem>>) semaphore(%arg9 : memref<!tpu.dma_semaphore, #tpu.memory_space<semaphore_mem>>)
    %dma_wait3A_201 = arith.constant 3 : i32
    %dma_wait3A_202 = arith.constant 0 : i32
    %dma_wait3A_203 = arith.constant 0 : i32
    %dma_wait3A_204 = tpu.memref_slice %arg6[%dma_wait3A_201, %dma_wait3A_202, %dma_wait3A_203] : memref<4x40x512xf32, #tpu.memory_space<vmem>> -> memref<1x40x512xf32, #tpu.memory_space<vmem>>
    %dma_wait3A_205 = tpu.memref_squeeze %dma_wait3A_204 : memref<1x40x512xf32, #tpu.memory_space<vmem>> -> memref<40x512xf32, #tpu.memory_space<vmem>>
    %dma_wait3A_206 = arith.constant 0 : i32
    %dma_wait3A_207 = tpu.memref_slice %arg5[%dma_wait3A_206] : memref<25600xi32, #tpu.memory_space<vmem>> -> memref<40xi32, #tpu.memory_space<vmem>>
    %dma_wait3A_208 = arith.constant 0 : i32
    %dma_wait3A_209 = arith.constant 0 : i32
    %dma_wait3A_210 = tpu.memref_slice %arg3[%dma_wait3A_208, %dma_wait3A_209] : memref<100000x512xf32, #tpu.memory_space<hbm>> -> memref<100000x512xf32, #tpu.memory_space<hbm>>
    tpu.wait_indirect_dma semaphore(%arg10 : memref<!tpu.dma_semaphore, #tpu.memory_space<semaphore_mem>>) src(%dma_wait3A_210 : memref<100000x512xf32, #tpu.memory_space<hbm>>) dst(%dma_wait3A_205 : memref<40x512xf32, #tpu.memory_space<vmem>>)
    %add3A_211 = arith.constant 120 : i32
    %add3A_212 = arith.addi %multiple_of3A, %add3A_211 : i32
    %multiple_of3A_213 = tpu.assume_multiple %add3A_212, 8 : i32
    %dma_start3A_214 = arith.constant 3 : i32
    %dma_start3A_215 = arith.constant 0 : i32
    %dma_start3A_216 = arith.constant 0 : i32
    %dma_start3A_217 = tpu.memref_slice %arg6[%dma_start3A_214, %dma_start3A_215, %dma_start3A_216] : memref<4x40x512xf32, #tpu.memory_space<vmem>> -> memref<1x40x512xf32, #tpu.memory_space<vmem>>
    %dma_start3A_218 = tpu.memref_squeeze %dma_start3A_217 : memref<1x40x512xf32, #tpu.memory_space<vmem>> -> memref<40x512xf32, #tpu.memory_space<vmem>>
    %dma_start3A_219 = arith.constant 0 : i32
    %dma_start3A_220 = tpu.memref_slice %arg4[%multiple_of3A_213, %dma_start3A_219] : memref<819200x512xf32, #tpu.memory_space<hbm>> -> memref<40x512xf32, #tpu.memory_space<hbm>>
    %dma_start3A_221 = arith.constant 0 : i32
    %dma_start3A_222 = tpu.memref_slice %arg4[%multiple_of3A_213, %dma_start3A_221] : memref<819200x512xf32, #tpu.memory_space<hbm>> -> memref<40x512xf32, #tpu.memory_space<hbm>>
    %dma_start3A_223 = arith.constant 0 : i32
    %dma_start3A_224 = arith.constant 0 : i32
    %dma_start3A_225 = tpu.memref_slice %arg6[%dma_start3A_214, %dma_start3A_223, %dma_start3A_224] : memref<4x40x512xf32, #tpu.memory_space<vmem>> -> memref<1x40x512xf32, #tpu.memory_space<vmem>>
    %dma_start3A_226 = tpu.memref_squeeze %dma_start3A_225 : memref<1x40x512xf32, #tpu.memory_space<vmem>> -> memref<40x512xf32, #tpu.memory_space<vmem>>
    tpu.enqueue_dma source(%dma_start3A_226 : memref<40x512xf32, #tpu.memory_space<vmem>>) target(%dma_start3A_222 : memref<40x512xf32, #tpu.memory_space<hbm>>) target_semaphore(%arg14 : memref<!tpu.dma_semaphore, #tpu.memory_space<semaphore_mem>>)
    %scan3A = arith.constant 0 : i32
    %scan3A_227 = arith.constant 1 : i32
    %scan3A_228 = arith.constant 158 : i32
    %scan3A_229 = arith.addi %scan3A_227, %scan3A_228 : i32
    %scan3A_230 = arith.constant 1 : i32
    scf.for %scan3A_422 = %scan3A_227 to %scan3A_229 step %scan3A_230  : i32 {
      %mul3A_423 = arith.constant 4 : i32
      %mul3A_424 = arith.muli %mul3A_423, %scan3A_422 : i32
      %add3A_425 = arith.constant 0 : i32
      %add3A_426 = arith.addi %mul3A_424, %add3A_425 : i32
      %dma_wait3A_427 = arith.constant 3 : i32
      %dma_wait3A_428 = arith.constant 0 : i32
      %dma_wait3A_429 = arith.constant 0 : i32
      %dma_wait3A_430 = tpu.memref_slice %arg6[%dma_wait3A_427, %dma_wait3A_428, %dma_wait3A_429] : memref<4x40x512xf32, #tpu.memory_space<vmem>> -> memref<1x40x512xf32, #tpu.memory_space<vmem>>
      %dma_wait3A_431 = tpu.memref_squeeze %dma_wait3A_430 : memref<1x40x512xf32, #tpu.memory_space<vmem>> -> memref<40x512xf32, #tpu.memory_space<vmem>>
      %dma_wait3A_432 = arith.constant 0 : i32
      %dma_wait3A_433 = arith.constant 0 : i32
      %dma_wait3A_434 = tpu.memref_slice %arg4[%dma_wait3A_432, %dma_wait3A_433] : memref<819200x512xf32, #tpu.memory_space<hbm>> -> memref<40x512xf32, #tpu.memory_space<hbm>>
      %dma_wait3A_435 = arith.constant 0 : i32
      %dma_wait3A_436 = arith.constant 0 : i32
      %dma_wait3A_437 = tpu.memref_slice %arg4[%dma_wait3A_435, %dma_wait3A_436] : memref<819200x512xf32, #tpu.memory_space<hbm>> -> memref<40x512xf32, #tpu.memory_space<hbm>>
      %dma_wait3A_438 = arith.constant 0 : i32
      %dma_wait3A_439 = arith.constant 0 : i32
      %dma_wait3A_440 = tpu.memref_slice %arg6[%dma_wait3A_427, %dma_wait3A_438, %dma_wait3A_439] : memref<4x40x512xf32, #tpu.memory_space<vmem>> -> memref<1x40x512xf32, #tpu.memory_space<vmem>>
      %dma_wait3A_441 = tpu.memref_squeeze %dma_wait3A_440 : memref<1x40x512xf32, #tpu.memory_space<vmem>> -> memref<40x512xf32, #tpu.memory_space<vmem>>
      tpu.wait_dma2 semaphore(%arg14 : memref<!tpu.dma_semaphore, #tpu.memory_space<semaphore_mem>>) src(%dma_wait3A_441 : memref<40x512xf32, #tpu.memory_space<vmem>>) dst(%dma_wait3A_437 : memref<40x512xf32, #tpu.memory_space<hbm>>)
      %add3A_442 = arith.constant 4 : i32
      %add3A_443 = arith.addi %add3A_426, %add3A_442 : i32
      %sub3A = arith.constant 1 : i32
      %sub3A_444 = arith.subi %add3A_443, %sub3A : i32
      %mul3A_445 = arith.constant 40 : i32
      %mul3A_446 = arith.muli %sub3A_444, %mul3A_445 : i32
      %multiple_of3A_447 = tpu.assume_multiple %mul3A_446, 8 : i32
      %dma_start3A_448 = arith.constant 3 : i32
      %dma_start3A_449 = arith.constant 0 : i32
      %dma_start3A_450 = arith.constant 0 : i32
      %dma_start3A_451 = tpu.memref_slice %arg6[%dma_start3A_448, %dma_start3A_449, %dma_start3A_450] : memref<4x40x512xf32, #tpu.memory_space<vmem>> -> memref<1x40x512xf32, #tpu.memory_space<vmem>>
      %dma_start3A_452 = tpu.memref_squeeze %dma_start3A_451 : memref<1x40x512xf32, #tpu.memory_space<vmem>> -> memref<40x512xf32, #tpu.memory_space<vmem>>
      %dma_start3A_453 = tpu.memref_slice %arg5[%multiple_of3A_447] : memref<25600xi32, #tpu.memory_space<vmem>> -> memref<40xi32, #tpu.memory_space<vmem>>
      %dma_start3A_454 = arith.constant 0 : i32
      %dma_start3A_455 = arith.constant 0 : i32
      %dma_start3A_456 = tpu.memref_slice %arg3[%dma_start3A_454, %dma_start3A_455] : memref<100000x512xf32, #tpu.memory_space<hbm>> -> memref<100000x512xf32, #tpu.memory_space<hbm>>
      tpu.enqueue_indirect_dma source(%dma_start3A_456 : memref<100000x512xf32, #tpu.memory_space<hbm>>) target(%dma_start3A_452 : memref<40x512xf32, #tpu.memory_space<vmem>>) offsets(%dma_start3A_453 : memref<40xi32, #tpu.memory_space<vmem>>) semaphore(%arg10 : memref<!tpu.dma_semaphore, #tpu.memory_space<semaphore_mem>>)
      %dma_wait3A_457 = arith.constant 0 : i32
      %dma_wait3A_458 = arith.constant 0 : i32
      %dma_wait3A_459 = arith.constant 0 : i32
      %dma_wait3A_460 = tpu.memref_slice %arg6[%dma_wait3A_457, %dma_wait3A_458, %dma_wait3A_459] : memref<4x40x512xf32, #tpu.memory_space<vmem>> -> memref<1x40x512xf32, #tpu.memory_space<vmem>>
      %dma_wait3A_461 = tpu.memref_squeeze %dma_wait3A_460 : memref<1x40x512xf32, #tpu.memory_space<vmem>> -> memref<40x512xf32, #tpu.memory_space<vmem>>
      %dma_wait3A_462 = arith.constant 0 : i32
      %dma_wait3A_463 = tpu.memref_slice %arg5[%dma_wait3A_462] : memref<25600xi32, #tpu.memory_space<vmem>> -> memref<40xi32, #tpu.memory_space<vmem>>
      %dma_wait3A_464 = arith.constant 0 : i32
      %dma_wait3A_465 = arith.constant 0 : i32
      %dma_wait3A_466 = tpu.memref_slice %arg3[%dma_wait3A_464, %dma_wait3A_465] : memref<100000x512xf32, #tpu.memory_space<hbm>> -> memref<100000x512xf32, #tpu.memory_space<hbm>>
      tpu.wait_indirect_dma semaphore(%arg7 : memref<!tpu.dma_semaphore, #tpu.memory_space<semaphore_mem>>) src(%dma_wait3A_466 : memref<100000x512xf32, #tpu.memory_space<hbm>>) dst(%dma_wait3A_461 : memref<40x512xf32, #tpu.memory_space<vmem>>)
      %mul3A_467 = arith.constant 40 : i32
      %mul3A_468 = arith.muli %add3A_426, %mul3A_467 : i32
      %add3A_469 = arith.addi %multiple_of3A, %mul3A_468 : i32
      %multiple_of3A_470 = tpu.assume_multiple %add3A_469, 8 : i32
      %dma_start3A_471 = arith.constant 0 : i32
      %dma_start3A_472 = arith.constant 0 : i32
      %dma_start3A_473 = arith.constant 0 : i32
      %dma_start3A_474 = tpu.memref_slice %arg6[%dma_start3A_471, %dma_start3A_472, %dma_start3A_473] : memref<4x40x512xf32, #tpu.memory_space<vmem>> -> memref<1x40x512xf32, #tpu.memory_space<vmem>>
      %dma_start3A_475 = tpu.memref_squeeze %dma_start3A_474 : memref<1x40x512xf32, #tpu.memory_space<vmem>> -> memref<40x512xf32, #tpu.memory_space<vmem>>
      %dma_start3A_476 = arith.constant 0 : i32
      %dma_start3A_477 = tpu.memref_slice %arg4[%multiple_of3A_470, %dma_start3A_476] : memref<819200x512xf32, #tpu.memory_space<hbm>> -> memref<40x512xf32, #tpu.memory_space<hbm>>
      %dma_start3A_478 = arith.constant 0 : i32
      %dma_start3A_479 = tpu.memref_slice %arg4[%multiple_of3A_470, %dma_start3A_478] : memref<819200x512xf32, #tpu.memory_space<hbm>> -> memref<40x512xf32, #tpu.memory_space<hbm>>
      %dma_start3A_480 = arith.constant 0 : i32
      %dma_start3A_481 = arith.constant 0 : i32
      %dma_start3A_482 = tpu.memref_slice %arg6[%dma_start3A_471, %dma_start3A_480, %dma_start3A_481] : memref<4x40x512xf32, #tpu.memory_space<vmem>> -> memref<1x40x512xf32, #tpu.memory_space<vmem>>
      %dma_start3A_483 = tpu.memref_squeeze %dma_start3A_482 : memref<1x40x512xf32, #tpu.memory_space<vmem>> -> memref<40x512xf32, #tpu.memory_space<vmem>>
      tpu.enqueue_dma source(%dma_start3A_483 : memref<40x512xf32, #tpu.memory_space<vmem>>) target(%dma_start3A_479 : memref<40x512xf32, #tpu.memory_space<hbm>>) target_semaphore(%arg11 : memref<!tpu.dma_semaphore, #tpu.memory_space<semaphore_mem>>)
      %mul3A_484 = arith.constant 4 : i32
      %mul3A_485 = arith.muli %mul3A_484, %scan3A_422 : i32
      %add3A_486 = arith.constant 1 : i32
      %add3A_487 = arith.addi %mul3A_485, %add3A_486 : i32
      %dma_wait3A_488 = arith.constant 0 : i32
      %dma_wait3A_489 = arith.constant 0 : i32
      %dma_wait3A_490 = arith.constant 0 : i32
      %dma_wait3A_491 = tpu.memref_slice %arg6[%dma_wait3A_488, %dma_wait3A_489, %dma_wait3A_490] : memref<4x40x512xf32, #tpu.memory_space<vmem>> -> memref<1x40x512xf32, #tpu.memory_space<vmem>>
      %dma_wait3A_492 = tpu.memref_squeeze %dma_wait3A_491 : memref<1x40x512xf32, #tpu.memory_space<vmem>> -> memref<40x512xf32, #tpu.memory_space<vmem>>
      %dma_wait3A_493 = arith.constant 0 : i32
      %dma_wait3A_494 = arith.constant 0 : i32
      %dma_wait3A_495 = tpu.memref_slice %arg4[%dma_wait3A_493, %dma_wait3A_494] : memref<819200x512xf32, #tpu.memory_space<hbm>> -> memref<40x512xf32, #tpu.memory_space<hbm>>
      %dma_wait3A_496 = arith.constant 0 : i32
      %dma_wait3A_497 = arith.constant 0 : i32
      %dma_wait3A_498 = tpu.memref_slice %arg4[%dma_wait3A_496, %dma_wait3A_497] : memref<819200x512xf32, #tpu.memory_space<hbm>> -> memref<40x512xf32, #tpu.memory_space<hbm>>
      %dma_wait3A_499 = arith.constant 0 : i32
      %dma_wait3A_500 = arith.constant 0 : i32
      %dma_wait3A_501 = tpu.memref_slice %arg6[%dma_wait3A_488, %dma_wait3A_499, %dma_wait3A_500] : memref<4x40x512xf32, #tpu.memory_space<vmem>> -> memref<1x40x512xf32, #tpu.memory_space<vmem>>
      %dma_wait3A_502 = tpu.memref_squeeze %dma_wait3A_501 : memref<1x40x512xf32, #tpu.memory_space<vmem>> -> memref<40x512xf32, #tpu.memory_space<vmem>>
      tpu.wait_dma2 semaphore(%arg11 : memref<!tpu.dma_semaphore, #tpu.memory_space<semaphore_mem>>) src(%dma_wait3A_502 : memref<40x512xf32, #tpu.memory_space<vmem>>) dst(%dma_wait3A_498 : memref<40x512xf32, #tpu.memory_space<hbm>>)
      %add3A_503 = arith.constant 4 : i32
      %add3A_504 = arith.addi %add3A_487, %add3A_503 : i32
      %sub3A_505 = arith.constant 1 : i32
      %sub3A_506 = arith.subi %add3A_504, %sub3A_505 : i32
      %mul3A_507 = arith.constant 40 : i32
      %mul3A_508 = arith.muli %sub3A_506, %mul3A_507 : i32
      %multiple_of3A_509 = tpu.assume_multiple %mul3A_508, 8 : i32
      %dma_start3A_510 = arith.constant 0 : i32
      %dma_start3A_511 = arith.constant 0 : i32
      %dma_start3A_512 = arith.constant 0 : i32
      %dma_start3A_513 = tpu.memref_slice %arg6[%dma_start3A_510, %dma_start3A_511, %dma_start3A_512] : memref<4x40x512xf32, #tpu.memory_space<vmem>> -> memref<1x40x512xf32, #tpu.memory_space<vmem>>
      %dma_start3A_514 = tpu.memref_squeeze %dma_start3A_513 : memref<1x40x512xf32, #tpu.memory_space<vmem>> -> memref<40x512xf32, #tpu.memory_space<vmem>>
      %dma_start3A_515 = tpu.memref_slice %arg5[%multiple_of3A_509] : memref<25600xi32, #tpu.memory_space<vmem>> -> memref<40xi32, #tpu.memory_space<vmem>>
      %dma_start3A_516 = arith.constant 0 : i32
      %dma_start3A_517 = arith.constant 0 : i32
      %dma_start3A_518 = tpu.memref_slice %arg3[%dma_start3A_516, %dma_start3A_517] : memref<100000x512xf32, #tpu.memory_space<hbm>> -> memref<100000x512xf32, #tpu.memory_space<hbm>>
      tpu.enqueue_indirect_dma source(%dma_start3A_518 : memref<100000x512xf32, #tpu.memory_space<hbm>>) target(%dma_start3A_514 : memref<40x512xf32, #tpu.memory_space<vmem>>) offsets(%dma_start3A_515 : memref<40xi32, #tpu.memory_space<vmem>>) semaphore(%arg7 : memref<!tpu.dma_semaphore, #tpu.memory_space<semaphore_mem>>)
      %dma_wait3A_519 = arith.constant 1 : i32
      %dma_wait3A_520 = arith.constant 0 : i32
      %dma_wait3A_521 = arith.constant 0 : i32
      %dma_wait3A_522 = tpu.memref_slice %arg6[%dma_wait3A_519, %dma_wait3A_520, %dma_wait3A_521] : memref<4x40x512xf32, #tpu.memory_space<vmem>> -> memref<1x40x512xf32, #tpu.memory_space<vmem>>
      %dma_wait3A_523 = tpu.memref_squeeze %dma_wait3A_522 : memref<1x40x512xf32, #tpu.memory_space<vmem>> -> memref<40x512xf32, #tpu.memory_space<vmem>>
      %dma_wait3A_524 = arith.constant 0 : i32
      %dma_wait3A_525 = tpu.memref_slice %arg5[%dma_wait3A_524] : memref<25600xi32, #tpu.memory_space<vmem>> -> memref<40xi32, #tpu.memory_space<vmem>>
      %dma_wait3A_526 = arith.constant 0 : i32
      %dma_wait3A_527 = arith.constant 0 : i32
      %dma_wait3A_528 = tpu.memref_slice %arg3[%dma_wait3A_526, %dma_wait3A_527] : memref<100000x512xf32, #tpu.memory_space<hbm>> -> memref<100000x512xf32, #tpu.memory_space<hbm>>
      tpu.wait_indirect_dma semaphore(%arg8 : memref<!tpu.dma_semaphore, #tpu.memory_space<semaphore_mem>>) src(%dma_wait3A_528 : memref<100000x512xf32, #tpu.memory_space<hbm>>) dst(%dma_wait3A_523 : memref<40x512xf32, #tpu.memory_space<vmem>>)
      %mul3A_529 = arith.constant 40 : i32
      %mul3A_530 = arith.muli %add3A_487, %mul3A_529 : i32
      %add3A_531 = arith.addi %multiple_of3A, %mul3A_530 : i32
      %multiple_of3A_532 = tpu.assume_multiple %add3A_531, 8 : i32
      %dma_start3A_533 = arith.constant 1 : i32
      %dma_start3A_534 = arith.constant 0 : i32
      %dma_start3A_535 = arith.constant 0 : i32
      %dma_start3A_536 = tpu.memref_slice %arg6[%dma_start3A_533, %dma_start3A_534, %dma_start3A_535] : memref<4x40x512xf32, #tpu.memory_space<vmem>> -> memref<1x40x512xf32, #tpu.memory_space<vmem>>
      %dma_start3A_537 = tpu.memref_squeeze %dma_start3A_536 : memref<1x40x512xf32, #tpu.memory_space<vmem>> -> memref<40x512xf32, #tpu.memory_space<vmem>>
      %dma_start3A_538 = arith.constant 0 : i32
      %dma_start3A_539 = tpu.memref_slice %arg4[%multiple_of3A_532, %dma_start3A_538] : memref<819200x512xf32, #tpu.memory_space<hbm>> -> memref<40x512xf32, #tpu.memory_space<hbm>>
      %dma_start3A_540 = arith.constant 0 : i32
      %dma_start3A_541 = tpu.memref_slice %arg4[%multiple_of3A_532, %dma_start3A_540] : memref<819200x512xf32, #tpu.memory_space<hbm>> -> memref<40x512xf32, #tpu.memory_space<hbm>>
      %dma_start3A_542 = arith.constant 0 : i32
      %dma_start3A_543 = arith.constant 0 : i32
      %dma_start3A_544 = tpu.memref_slice %arg6[%dma_start3A_533, %dma_start3A_542, %dma_start3A_543] : memref<4x40x512xf32, #tpu.memory_space<vmem>> -> memref<1x40x512xf32, #tpu.memory_space<vmem>>
      %dma_start3A_545 = tpu.memref_squeeze %dma_start3A_544 : memref<1x40x512xf32, #tpu.memory_space<vmem>> -> memref<40x512xf32, #tpu.memory_space<vmem>>
      tpu.enqueue_dma source(%dma_start3A_545 : memref<40x512xf32, #tpu.memory_space<vmem>>) target(%dma_start3A_541 : memref<40x512xf32, #tpu.memory_space<hbm>>) target_semaphore(%arg12 : memref<!tpu.dma_semaphore, #tpu.memory_space<semaphore_mem>>)
      %mul3A_546 = arith.constant 4 : i32
      %mul3A_547 = arith.muli %mul3A_546, %scan3A_422 : i32
      %add3A_548 = arith.constant 2 : i32
      %add3A_549 = arith.addi %mul3A_547, %add3A_548 : i32
      %dma_wait3A_550 = arith.constant 1 : i32
      %dma_wait3A_551 = arith.constant 0 : i32
      %dma_wait3A_552 = arith.constant 0 : i32
      %dma_wait3A_553 = tpu.memref_slice %arg6[%dma_wait3A_550, %dma_wait3A_551, %dma_wait3A_552] : memref<4x40x512xf32, #tpu.memory_space<vmem>> -> memref<1x40x512xf32, #tpu.memory_space<vmem>>
      %dma_wait3A_554 = tpu.memref_squeeze %dma_wait3A_553 : memref<1x40x512xf32, #tpu.memory_space<vmem>> -> memref<40x512xf32, #tpu.memory_space<vmem>>
      %dma_wait3A_555 = arith.constant 0 : i32
      %dma_wait3A_556 = arith.constant 0 : i32
      %dma_wait3A_557 = tpu.memref_slice %arg4[%dma_wait3A_555, %dma_wait3A_556] : memref<819200x512xf32, #tpu.memory_space<hbm>> -> memref<40x512xf32, #tpu.memory_space<hbm>>
      %dma_wait3A_558 = arith.constant 0 : i32
      %dma_wait3A_559 = arith.constant 0 : i32
      %dma_wait3A_560 = tpu.memref_slice %arg4[%dma_wait3A_558, %dma_wait3A_559] : memref<819200x512xf32, #tpu.memory_space<hbm>> -> memref<40x512xf32, #tpu.memory_space<hbm>>
      %dma_wait3A_561 = arith.constant 0 : i32
      %dma_wait3A_562 = arith.constant 0 : i32
      %dma_wait3A_563 = tpu.memref_slice %arg6[%dma_wait3A_550, %dma_wait3A_561, %dma_wait3A_562] : memref<4x40x512xf32, #tpu.memory_space<vmem>> -> memref<1x40x512xf32, #tpu.memory_space<vmem>>
      %dma_wait3A_564 = tpu.memref_squeeze %dma_wait3A_563 : memref<1x40x512xf32, #tpu.memory_space<vmem>> -> memref<40x512xf32, #tpu.memory_space<vmem>>
      tpu.wait_dma2 semaphore(%arg12 : memref<!tpu.dma_semaphore, #tpu.memory_space<semaphore_mem>>) src(%dma_wait3A_564 : memref<40x512xf32, #tpu.memory_space<vmem>>) dst(%dma_wait3A_560 : memref<40x512xf32, #tpu.memory_space<hbm>>)
      %add3A_565 = arith.constant 4 : i32
      %add3A_566 = arith.addi %add3A_549, %add3A_565 : i32
      %sub3A_567 = arith.constant 1 : i32
      %sub3A_568 = arith.subi %add3A_566, %sub3A_567 : i32
      %mul3A_569 = arith.constant 40 : i32
      %mul3A_570 = arith.muli %sub3A_568, %mul3A_569 : i32
      %multiple_of3A_571 = tpu.assume_multiple %mul3A_570, 8 : i32
      %dma_start3A_572 = arith.constant 1 : i32
      %dma_start3A_573 = arith.constant 0 : i32
      %dma_start3A_574 = arith.constant 0 : i32
      %dma_start3A_575 = tpu.memref_slice %arg6[%dma_start3A_572, %dma_start3A_573, %dma_start3A_574] : memref<4x40x512xf32, #tpu.memory_space<vmem>> -> memref<1x40x512xf32, #tpu.memory_space<vmem>>
      %dma_start3A_576 = tpu.memref_squeeze %dma_start3A_575 : memref<1x40x512xf32, #tpu.memory_space<vmem>> -> memref<40x512xf32, #tpu.memory_space<vmem>>
      %dma_start3A_577 = tpu.memref_slice %arg5[%multiple_of3A_571] : memref<25600xi32, #tpu.memory_space<vmem>> -> memref<40xi32, #tpu.memory_space<vmem>>
      %dma_start3A_578 = arith.constant 0 : i32
      %dma_start3A_579 = arith.constant 0 : i32
      %dma_start3A_580 = tpu.memref_slice %arg3[%dma_start3A_578, %dma_start3A_579] : memref<100000x512xf32, #tpu.memory_space<hbm>> -> memref<100000x512xf32, #tpu.memory_space<hbm>>
      tpu.enqueue_indirect_dma source(%dma_start3A_580 : memref<100000x512xf32, #tpu.memory_space<hbm>>) target(%dma_start3A_576 : memref<40x512xf32, #tpu.memory_space<vmem>>) offsets(%dma_start3A_577 : memref<40xi32, #tpu.memory_space<vmem>>) semaphore(%arg8 : memref<!tpu.dma_semaphore, #tpu.memory_space<semaphore_mem>>)
      %dma_wait3A_581 = arith.constant 2 : i32
      %dma_wait3A_582 = arith.constant 0 : i32
      %dma_wait3A_583 = arith.constant 0 : i32
      %dma_wait3A_584 = tpu.memref_slice %arg6[%dma_wait3A_581, %dma_wait3A_582, %dma_wait3A_583] : memref<4x40x512xf32, #tpu.memory_space<vmem>> -> memref<1x40x512xf32, #tpu.memory_space<vmem>>
      %dma_wait3A_585 = tpu.memref_squeeze %dma_wait3A_584 : memref<1x40x512xf32, #tpu.memory_space<vmem>> -> memref<40x512xf32, #tpu.memory_space<vmem>>
      %dma_wait3A_586 = arith.constant 0 : i32
      %dma_wait3A_587 = tpu.memref_slice %arg5[%dma_wait3A_586] : memref<25600xi32, #tpu.memory_space<vmem>> -> memref<40xi32, #tpu.memory_space<vmem>>
      %dma_wait3A_588 = arith.constant 0 : i32
      %dma_wait3A_589 = arith.constant 0 : i32
      %dma_wait3A_590 = tpu.memref_slice %arg3[%dma_wait3A_588, %dma_wait3A_589] : memref<100000x512xf32, #tpu.memory_space<hbm>> -> memref<100000x512xf32, #tpu.memory_space<hbm>>
      tpu.wait_indirect_dma semaphore(%arg9 : memref<!tpu.dma_semaphore, #tpu.memory_space<semaphore_mem>>) src(%dma_wait3A_590 : memref<100000x512xf32, #tpu.memory_space<hbm>>) dst(%dma_wait3A_585 : memref<40x512xf32, #tpu.memory_space<vmem>>)
      %mul3A_591 = arith.constant 40 : i32
      %mul3A_592 = arith.muli %add3A_549, %mul3A_591 : i32
      %add3A_593 = arith.addi %multiple_of3A, %mul3A_592 : i32
      %multiple_of3A_594 = tpu.assume_multiple %add3A_593, 8 : i32
      %dma_start3A_595 = arith.constant 2 : i32
      %dma_start3A_596 = arith.constant 0 : i32
      %dma_start3A_597 = arith.constant 0 : i32
      %dma_start3A_598 = tpu.memref_slice %arg6[%dma_start3A_595, %dma_start3A_596, %dma_start3A_597] : memref<4x40x512xf32, #tpu.memory_space<vmem>> -> memref<1x40x512xf32, #tpu.memory_space<vmem>>
      %dma_start3A_599 = tpu.memref_squeeze %dma_start3A_598 : memref<1x40x512xf32, #tpu.memory_space<vmem>> -> memref<40x512xf32, #tpu.memory_space<vmem>>
      %dma_start3A_600 = arith.constant 0 : i32
      %dma_start3A_601 = tpu.memref_slice %arg4[%multiple_of3A_594, %dma_start3A_600] : memref<819200x512xf32, #tpu.memory_space<hbm>> -> memref<40x512xf32, #tpu.memory_space<hbm>>
      %dma_start3A_602 = arith.constant 0 : i32
      %dma_start3A_603 = tpu.memref_slice %arg4[%multiple_of3A_594, %dma_start3A_602] : memref<819200x512xf32, #tpu.memory_space<hbm>> -> memref<40x512xf32, #tpu.memory_space<hbm>>
      %dma_start3A_604 = arith.constant 0 : i32
      %dma_start3A_605 = arith.constant 0 : i32
      %dma_start3A_606 = tpu.memref_slice %arg6[%dma_start3A_595, %dma_start3A_604, %dma_start3A_605] : memref<4x40x512xf32, #tpu.memory_space<vmem>> -> memref<1x40x512xf32, #tpu.memory_space<vmem>>
      %dma_start3A_607 = tpu.memref_squeeze %dma_start3A_606 : memref<1x40x512xf32, #tpu.memory_space<vmem>> -> memref<40x512xf32, #tpu.memory_space<vmem>>
      tpu.enqueue_dma source(%dma_start3A_607 : memref<40x512xf32, #tpu.memory_space<vmem>>) target(%dma_start3A_603 : memref<40x512xf32, #tpu.memory_space<hbm>>) target_semaphore(%arg13 : memref<!tpu.dma_semaphore, #tpu.memory_space<semaphore_mem>>)
      %mul3A_608 = arith.constant 4 : i32
      %mul3A_609 = arith.muli %mul3A_608, %scan3A_422 : i32
      %add3A_610 = arith.constant 3 : i32
      %add3A_611 = arith.addi %mul3A_609, %add3A_610 : i32
      %dma_wait3A_612 = arith.constant 2 : i32
      %dma_wait3A_613 = arith.constant 0 : i32
      %dma_wait3A_614 = arith.constant 0 : i32
      %dma_wait3A_615 = tpu.memref_slice %arg6[%dma_wait3A_612, %dma_wait3A_613, %dma_wait3A_614] : memref<4x40x512xf32, #tpu.memory_space<vmem>> -> memref<1x40x512xf32, #tpu.memory_space<vmem>>
      %dma_wait3A_616 = tpu.memref_squeeze %dma_wait3A_615 : memref<1x40x512xf32, #tpu.memory_space<vmem>> -> memref<40x512xf32, #tpu.memory_space<vmem>>
      %dma_wait3A_617 = arith.constant 0 : i32
      %dma_wait3A_618 = arith.constant 0 : i32
      %dma_wait3A_619 = tpu.memref_slice %arg4[%dma_wait3A_617, %dma_wait3A_618] : memref<819200x512xf32, #tpu.memory_space<hbm>> -> memref<40x512xf32, #tpu.memory_space<hbm>>
      %dma_wait3A_620 = arith.constant 0 : i32
      %dma_wait3A_621 = arith.constant 0 : i32
      %dma_wait3A_622 = tpu.memref_slice %arg4[%dma_wait3A_620, %dma_wait3A_621] : memref<819200x512xf32, #tpu.memory_space<hbm>> -> memref<40x512xf32, #tpu.memory_space<hbm>>
      %dma_wait3A_623 = arith.constant 0 : i32
      %dma_wait3A_624 = arith.constant 0 : i32
      %dma_wait3A_625 = tpu.memref_slice %arg6[%dma_wait3A_612, %dma_wait3A_623, %dma_wait3A_624] : memref<4x40x512xf32, #tpu.memory_space<vmem>> -> memref<1x40x512xf32, #tpu.memory_space<vmem>>
      %dma_wait3A_626 = tpu.memref_squeeze %dma_wait3A_625 : memref<1x40x512xf32, #tpu.memory_space<vmem>> -> memref<40x512xf32, #tpu.memory_space<vmem>>
      tpu.wait_dma2 semaphore(%arg13 : memref<!tpu.dma_semaphore, #tpu.memory_space<semaphore_mem>>) src(%dma_wait3A_626 : memref<40x512xf32, #tpu.memory_space<vmem>>) dst(%dma_wait3A_622 : memref<40x512xf32, #tpu.memory_space<hbm>>)
      %add3A_627 = arith.constant 4 : i32
      %add3A_628 = arith.addi %add3A_611, %add3A_627 : i32
      %sub3A_629 = arith.constant 1 : i32
      %sub3A_630 = arith.subi %add3A_628, %sub3A_629 : i32
      %mul3A_631 = arith.constant 40 : i32
      %mul3A_632 = arith.muli %sub3A_630, %mul3A_631 : i32
      %multiple_of3A_633 = tpu.assume_multiple %mul3A_632, 8 : i32
      %dma_start3A_634 = arith.constant 2 : i32
      %dma_start3A_635 = arith.constant 0 : i32
      %dma_start3A_636 = arith.constant 0 : i32
      %dma_start3A_637 = tpu.memref_slice %arg6[%dma_start3A_634, %dma_start3A_635, %dma_start3A_636] : memref<4x40x512xf32, #tpu.memory_space<vmem>> -> memref<1x40x512xf32, #tpu.memory_space<vmem>>
      %dma_start3A_638 = tpu.memref_squeeze %dma_start3A_637 : memref<1x40x512xf32, #tpu.memory_space<vmem>> -> memref<40x512xf32, #tpu.memory_space<vmem>>
      %dma_start3A_639 = tpu.memref_slice %arg5[%multiple_of3A_633] : memref<25600xi32, #tpu.memory_space<vmem>> -> memref<40xi32, #tpu.memory_space<vmem>>
      %dma_start3A_640 = arith.constant 0 : i32
      %dma_start3A_641 = arith.constant 0 : i32
      %dma_start3A_642 = tpu.memref_slice %arg3[%dma_start3A_640, %dma_start3A_641] : memref<100000x512xf32, #tpu.memory_space<hbm>> -> memref<100000x512xf32, #tpu.memory_space<hbm>>
      tpu.enqueue_indirect_dma source(%dma_start3A_642 : memref<100000x512xf32, #tpu.memory_space<hbm>>) target(%dma_start3A_638 : memref<40x512xf32, #tpu.memory_space<vmem>>) offsets(%dma_start3A_639 : memref<40xi32, #tpu.memory_space<vmem>>) semaphore(%arg9 : memref<!tpu.dma_semaphore, #tpu.memory_space<semaphore_mem>>)
      %dma_wait3A_643 = arith.constant 3 : i32
      %dma_wait3A_644 = arith.constant 0 : i32
      %dma_wait3A_645 = arith.constant 0 : i32
      %dma_wait3A_646 = tpu.memref_slice %arg6[%dma_wait3A_643, %dma_wait3A_644, %dma_wait3A_645] : memref<4x40x512xf32, #tpu.memory_space<vmem>> -> memref<1x40x512xf32, #tpu.memory_space<vmem>>
      %dma_wait3A_647 = tpu.memref_squeeze %dma_wait3A_646 : memref<1x40x512xf32, #tpu.memory_space<vmem>> -> memref<40x512xf32, #tpu.memory_space<vmem>>
      %dma_wait3A_648 = arith.constant 0 : i32
      %dma_wait3A_649 = tpu.memref_slice %arg5[%dma_wait3A_648] : memref<25600xi32, #tpu.memory_space<vmem>> -> memref<40xi32, #tpu.memory_space<vmem>>
      %dma_wait3A_650 = arith.constant 0 : i32
      %dma_wait3A_651 = arith.constant 0 : i32
      %dma_wait3A_652 = tpu.memref_slice %arg3[%dma_wait3A_650, %dma_wait3A_651] : memref<100000x512xf32, #tpu.memory_space<hbm>> -> memref<100000x512xf32, #tpu.memory_space<hbm>>
      tpu.wait_indirect_dma semaphore(%arg10 : memref<!tpu.dma_semaphore, #tpu.memory_space<semaphore_mem>>) src(%dma_wait3A_652 : memref<100000x512xf32, #tpu.memory_space<hbm>>) dst(%dma_wait3A_647 : memref<40x512xf32, #tpu.memory_space<vmem>>)
      %mul3A_653 = arith.constant 40 : i32
      %mul3A_654 = arith.muli %add3A_611, %mul3A_653 : i32
      %add3A_655 = arith.addi %multiple_of3A, %mul3A_654 : i32
      %multiple_of3A_656 = tpu.assume_multiple %add3A_655, 8 : i32
      %dma_start3A_657 = arith.constant 3 : i32
      %dma_start3A_658 = arith.constant 0 : i32
      %dma_start3A_659 = arith.constant 0 : i32
      %dma_start3A_660 = tpu.memref_slice %arg6[%dma_start3A_657, %dma_start3A_658, %dma_start3A_659] : memref<4x40x512xf32, #tpu.memory_space<vmem>> -> memref<1x40x512xf32, #tpu.memory_space<vmem>>
      %dma_start3A_661 = tpu.memref_squeeze %dma_start3A_660 : memref<1x40x512xf32, #tpu.memory_space<vmem>> -> memref<40x512xf32, #tpu.memory_space<vmem>>
      %dma_start3A_662 = arith.constant 0 : i32
      %dma_start3A_663 = tpu.memref_slice %arg4[%multiple_of3A_656, %dma_start3A_662] : memref<819200x512xf32, #tpu.memory_space<hbm>> -> memref<40x512xf32, #tpu.memory_space<hbm>>
      %dma_start3A_664 = arith.constant 0 : i32
      %dma_start3A_665 = tpu.memref_slice %arg4[%multiple_of3A_656, %dma_start3A_664] : memref<819200x512xf32, #tpu.memory_space<hbm>> -> memref<40x512xf32, #tpu.memory_space<hbm>>
      %dma_start3A_666 = arith.constant 0 : i32
      %dma_start3A_667 = arith.constant 0 : i32
      %dma_start3A_668 = tpu.memref_slice %arg6[%dma_start3A_657, %dma_start3A_666, %dma_start3A_667] : memref<4x40x512xf32, #tpu.memory_space<vmem>> -> memref<1x40x512xf32, #tpu.memory_space<vmem>>
      %dma_start3A_669 = tpu.memref_squeeze %dma_start3A_668 : memref<1x40x512xf32, #tpu.memory_space<vmem>> -> memref<40x512xf32, #tpu.memory_space<vmem>>
      tpu.enqueue_dma source(%dma_start3A_669 : memref<40x512xf32, #tpu.memory_space<vmem>>) target(%dma_start3A_665 : memref<40x512xf32, #tpu.memory_space<hbm>>) target_semaphore(%arg14 : memref<!tpu.dma_semaphore, #tpu.memory_space<semaphore_mem>>)
    }
    %scan3A_231 = arith.constant 158 : i32
    %dma_wait3A_232 = arith.constant 3 : i32
    %dma_wait3A_233 = arith.constant 0 : i32
    %dma_wait3A_234 = arith.constant 0 : i32
    %dma_wait3A_235 = tpu.memref_slice %arg6[%dma_wait3A_232, %dma_wait3A_233, %dma_wait3A_234] : memref<4x40x512xf32, #tpu.memory_space<vmem>> -> memref<1x40x512xf32, #tpu.memory_space<vmem>>
    %dma_wait3A_236 = tpu.memref_squeeze %dma_wait3A_235 : memref<1x40x512xf32, #tpu.memory_space<vmem>> -> memref<40x512xf32, #tpu.memory_space<vmem>>
    %dma_wait3A_237 = arith.constant 0 : i32
    %dma_wait3A_238 = arith.constant 0 : i32
    %dma_wait3A_239 = tpu.memref_slice %arg4[%dma_wait3A_237, %dma_wait3A_238] : memref<819200x512xf32, #tpu.memory_space<hbm>> -> memref<40x512xf32, #tpu.memory_space<hbm>>
    %dma_wait3A_240 = arith.constant 0 : i32
    %dma_wait3A_241 = arith.constant 0 : i32
    %dma_wait3A_242 = tpu.memref_slice %arg4[%dma_wait3A_240, %dma_wait3A_241] : memref<819200x512xf32, #tpu.memory_space<hbm>> -> memref<40x512xf32, #tpu.memory_space<hbm>>
    %dma_wait3A_243 = arith.constant 0 : i32
    %dma_wait3A_244 = arith.constant 0 : i32
    %dma_wait3A_245 = tpu.memref_slice %arg6[%dma_wait3A_232, %dma_wait3A_243, %dma_wait3A_244] : memref<4x40x512xf32, #tpu.memory_space<vmem>> -> memref<1x40x512xf32, #tpu.memory_space<vmem>>
    %dma_wait3A_246 = tpu.memref_squeeze %dma_wait3A_245 : memref<1x40x512xf32, #tpu.memory_space<vmem>> -> memref<40x512xf32, #tpu.memory_space<vmem>>
    tpu.wait_dma2 semaphore(%arg14 : memref<!tpu.dma_semaphore, #tpu.memory_space<semaphore_mem>>) src(%dma_wait3A_246 : memref<40x512xf32, #tpu.memory_space<vmem>>) dst(%dma_wait3A_242 : memref<40x512xf32, #tpu.memory_space<hbm>>)
    %multiple_of3A_247 = arith.constant 25560 : i32
    %multiple_of3A_248 = tpu.assume_multiple %multiple_of3A_247, 8 : i32
    %dma_start3A_249 = arith.constant 3 : i32
    %dma_start3A_250 = arith.constant 0 : i32
    %dma_start3A_251 = arith.constant 0 : i32
    %dma_start3A_252 = tpu.memref_slice %arg6[%dma_start3A_249, %dma_start3A_250, %dma_start3A_251] : memref<4x40x512xf32, #tpu.memory_space<vmem>> -> memref<1x40x512xf32, #tpu.memory_space<vmem>>
    %dma_start3A_253 = tpu.memref_squeeze %dma_start3A_252 : memref<1x40x512xf32, #tpu.memory_space<vmem>> -> memref<40x512xf32, #tpu.memory_space<vmem>>
    %dma_start3A_254 = tpu.memref_slice %arg5[%multiple_of3A_248] : memref<25600xi32, #tpu.memory_space<vmem>> -> memref<40xi32, #tpu.memory_space<vmem>>
    %dma_start3A_255 = arith.constant 0 : i32
    %dma_start3A_256 = arith.constant 0 : i32
    %dma_start3A_257 = tpu.memref_slice %arg3[%dma_start3A_255, %dma_start3A_256] : memref<100000x512xf32, #tpu.memory_space<hbm>> -> memref<100000x512xf32, #tpu.memory_space<hbm>>
    tpu.enqueue_indirect_dma source(%dma_start3A_257 : memref<100000x512xf32, #tpu.memory_space<hbm>>) target(%dma_start3A_253 : memref<40x512xf32, #tpu.memory_space<vmem>>) offsets(%dma_start3A_254 : memref<40xi32, #tpu.memory_space<vmem>>) semaphore(%arg10 : memref<!tpu.dma_semaphore, #tpu.memory_space<semaphore_mem>>)
    %dma_wait3A_258 = arith.constant 0 : i32
    %dma_wait3A_259 = arith.constant 0 : i32
    %dma_wait3A_260 = arith.constant 0 : i32
    %dma_wait3A_261 = tpu.memref_slice %arg6[%dma_wait3A_258, %dma_wait3A_259, %dma_wait3A_260] : memref<4x40x512xf32, #tpu.memory_space<vmem>> -> memref<1x40x512xf32, #tpu.memory_space<vmem>>
    %dma_wait3A_262 = tpu.memref_squeeze %dma_wait3A_261 : memref<1x40x512xf32, #tpu.memory_space<vmem>> -> memref<40x512xf32, #tpu.memory_space<vmem>>
    %dma_wait3A_263 = arith.constant 0 : i32
    %dma_wait3A_264 = tpu.memref_slice %arg5[%dma_wait3A_263] : memref<25600xi32, #tpu.memory_space<vmem>> -> memref<40xi32, #tpu.memory_space<vmem>>
    %dma_wait3A_265 = arith.constant 0 : i32
    %dma_wait3A_266 = arith.constant 0 : i32
    %dma_wait3A_267 = tpu.memref_slice %arg3[%dma_wait3A_265, %dma_wait3A_266] : memref<100000x512xf32, #tpu.memory_space<hbm>> -> memref<100000x512xf32, #tpu.memory_space<hbm>>
    tpu.wait_indirect_dma semaphore(%arg7 : memref<!tpu.dma_semaphore, #tpu.memory_space<semaphore_mem>>) src(%dma_wait3A_267 : memref<100000x512xf32, #tpu.memory_space<hbm>>) dst(%dma_wait3A_262 : memref<40x512xf32, #tpu.memory_space<vmem>>)
    %add3A_268 = arith.constant 25440 : i32
    %add3A_269 = arith.addi %multiple_of3A, %add3A_268 : i32
    %multiple_of3A_270 = tpu.assume_multiple %add3A_269, 8 : i32
    %dma_start3A_271 = arith.constant 0 : i32
    %dma_start3A_272 = arith.constant 0 : i32
    %dma_start3A_273 = arith.constant 0 : i32
    %dma_start3A_274 = tpu.memref_slice %arg6[%dma_start3A_271, %dma_start3A_272, %dma_start3A_273] : memref<4x40x512xf32, #tpu.memory_space<vmem>> -> memref<1x40x512xf32, #tpu.memory_space<vmem>>
    %dma_start3A_275 = tpu.memref_squeeze %dma_start3A_274 : memref<1x40x512xf32, #tpu.memory_space<vmem>> -> memref<40x512xf32, #tpu.memory_space<vmem>>
    %dma_start3A_276 = arith.constant 0 : i32
    %dma_start3A_277 = tpu.memref_slice %arg4[%multiple_of3A_270, %dma_start3A_276] : memref<819200x512xf32, #tpu.memory_space<hbm>> -> memref<40x512xf32, #tpu.memory_space<hbm>>
    %dma_start3A_278 = arith.constant 0 : i32
    %dma_start3A_279 = tpu.memref_slice %arg4[%multiple_of3A_270, %dma_start3A_278] : memref<819200x512xf32, #tpu.memory_space<hbm>> -> memref<40x512xf32, #tpu.memory_space<hbm>>
    %dma_start3A_280 = arith.constant 0 : i32
    %dma_start3A_281 = arith.constant 0 : i32
    %dma_start3A_282 = tpu.memref_slice %arg6[%dma_start3A_271, %dma_start3A_280, %dma_start3A_281] : memref<4x40x512xf32, #tpu.memory_space<vmem>> -> memref<1x40x512xf32, #tpu.memory_space<vmem>>
    %dma_start3A_283 = tpu.memref_squeeze %dma_start3A_282 : memref<1x40x512xf32, #tpu.memory_space<vmem>> -> memref<40x512xf32, #tpu.memory_space<vmem>>
    tpu.enqueue_dma source(%dma_start3A_283 : memref<40x512xf32, #tpu.memory_space<vmem>>) target(%dma_start3A_279 : memref<40x512xf32, #tpu.memory_space<hbm>>) target_semaphore(%arg11 : memref<!tpu.dma_semaphore, #tpu.memory_space<semaphore_mem>>)
    %dma_wait3A_284 = arith.constant 1 : i32
    %dma_wait3A_285 = arith.constant 0 : i32
    %dma_wait3A_286 = arith.constant 0 : i32
    %dma_wait3A_287 = tpu.memref_slice %arg6[%dma_wait3A_284, %dma_wait3A_285, %dma_wait3A_286] : memref<4x40x512xf32, #tpu.memory_space<vmem>> -> memref<1x40x512xf32, #tpu.memory_space<vmem>>
    %dma_wait3A_288 = tpu.memref_squeeze %dma_wait3A_287 : memref<1x40x512xf32, #tpu.memory_space<vmem>> -> memref<40x512xf32, #tpu.memory_space<vmem>>
    %dma_wait3A_289 = arith.constant 0 : i32
    %dma_wait3A_290 = tpu.memref_slice %arg5[%dma_wait3A_289] : memref<25600xi32, #tpu.memory_space<vmem>> -> memref<40xi32, #tpu.memory_space<vmem>>
    %dma_wait3A_291 = arith.constant 0 : i32
    %dma_wait3A_292 = arith.constant 0 : i32
    %dma_wait3A_293 = tpu.memref_slice %arg3[%dma_wait3A_291, %dma_wait3A_292] : memref<100000x512xf32, #tpu.memory_space<hbm>> -> memref<100000x512xf32, #tpu.memory_space<hbm>>
    tpu.wait_indirect_dma semaphore(%arg8 : memref<!tpu.dma_semaphore, #tpu.memory_space<semaphore_mem>>) src(%dma_wait3A_293 : memref<100000x512xf32, #tpu.memory_space<hbm>>) dst(%dma_wait3A_288 : memref<40x512xf32, #tpu.memory_space<vmem>>)
    %add3A_294 = arith.constant 25480 : i32
    %add3A_295 = arith.addi %multiple_of3A, %add3A_294 : i32
    %multiple_of3A_296 = tpu.assume_multiple %add3A_295, 8 : i32
    %dma_start3A_297 = arith.constant 1 : i32
    %dma_start3A_298 = arith.constant 0 : i32
    %dma_start3A_299 = arith.constant 0 : i32
    %dma_start3A_300 = tpu.memref_slice %arg6[%dma_start3A_297, %dma_start3A_298, %dma_start3A_299] : memref<4x40x512xf32, #tpu.memory_space<vmem>> -> memref<1x40x512xf32, #tpu.memory_space<vmem>>
    %dma_start3A_301 = tpu.memref_squeeze %dma_start3A_300 : memref<1x40x512xf32, #tpu.memory_space<vmem>> -> memref<40x512xf32, #tpu.memory_space<vmem>>
    %dma_start3A_302 = arith.constant 0 : i32
    %dma_start3A_303 = tpu.memref_slice %arg4[%multiple_of3A_296, %dma_start3A_302] : memref<819200x512xf32, #tpu.memory_space<hbm>> -> memref<40x512xf32, #tpu.memory_space<hbm>>
    %dma_start3A_304 = arith.constant 0 : i32
    %dma_start3A_305 = tpu.memref_slice %arg4[%multiple_of3A_296, %dma_start3A_304] : memref<819200x512xf32, #tpu.memory_space<hbm>> -> memref<40x512xf32, #tpu.memory_space<hbm>>
    %dma_start3A_306 = arith.constant 0 : i32
    %dma_start3A_307 = arith.constant 0 : i32
    %dma_start3A_308 = tpu.memref_slice %arg6[%dma_start3A_297, %dma_start3A_306, %dma_start3A_307] : memref<4x40x512xf32, #tpu.memory_space<vmem>> -> memref<1x40x512xf32, #tpu.memory_space<vmem>>
    %dma_start3A_309 = tpu.memref_squeeze %dma_start3A_308 : memref<1x40x512xf32, #tpu.memory_space<vmem>> -> memref<40x512xf32, #tpu.memory_space<vmem>>
    tpu.enqueue_dma source(%dma_start3A_309 : memref<40x512xf32, #tpu.memory_space<vmem>>) target(%dma_start3A_305 : memref<40x512xf32, #tpu.memory_space<hbm>>) target_semaphore(%arg12 : memref<!tpu.dma_semaphore, #tpu.memory_space<semaphore_mem>>)
    %dma_wait3A_310 = arith.constant 0 : i32
    %dma_wait3A_311 = arith.constant 0 : i32
    %dma_wait3A_312 = arith.constant 0 : i32
    %dma_wait3A_313 = tpu.memref_slice %arg6[%dma_wait3A_310, %dma_wait3A_311, %dma_wait3A_312] : memref<4x40x512xf32, #tpu.memory_space<vmem>> -> memref<1x40x512xf32, #tpu.memory_space<vmem>>
    %dma_wait3A_314 = tpu.memref_squeeze %dma_wait3A_313 : memref<1x40x512xf32, #tpu.memory_space<vmem>> -> memref<40x512xf32, #tpu.memory_space<vmem>>
    %dma_wait3A_315 = arith.constant 0 : i32
    %dma_wait3A_316 = arith.constant 0 : i32
    %dma_wait3A_317 = tpu.memref_slice %arg4[%dma_wait3A_315, %dma_wait3A_316] : memref<819200x512xf32, #tpu.memory_space<hbm>> -> memref<40x512xf32, #tpu.memory_space<hbm>>
    %dma_wait3A_318 = arith.constant 0 : i32
    %dma_wait3A_319 = arith.constant 0 : i32
    %dma_wait3A_320 = tpu.memref_slice %arg4[%dma_wait3A_318, %dma_wait3A_319] : memref<819200x512xf32, #tpu.memory_space<hbm>> -> memref<40x512xf32, #tpu.memory_space<hbm>>
    %dma_wait3A_321 = arith.constant 0 : i32
    %dma_wait3A_322 = arith.constant 0 : i32
    %dma_wait3A_323 = tpu.memref_slice %arg6[%dma_wait3A_310, %dma_wait3A_321, %dma_wait3A_322] : memref<4x40x512xf32, #tpu.memory_space<vmem>> -> memref<1x40x512xf32, #tpu.memory_space<vmem>>
    %dma_wait3A_324 = tpu.memref_squeeze %dma_wait3A_323 : memref<1x40x512xf32, #tpu.memory_space<vmem>> -> memref<40x512xf32, #tpu.memory_space<vmem>>
    tpu.wait_dma2 semaphore(%arg11 : memref<!tpu.dma_semaphore, #tpu.memory_space<semaphore_mem>>) src(%dma_wait3A_324 : memref<40x512xf32, #tpu.memory_space<vmem>>) dst(%dma_wait3A_320 : memref<40x512xf32, #tpu.memory_space<hbm>>)
    %dma_wait3A_325 = arith.constant 2 : i32
    %dma_wait3A_326 = arith.constant 0 : i32
    %dma_wait3A_327 = arith.constant 0 : i32
    %dma_wait3A_328 = tpu.memref_slice %arg6[%dma_wait3A_325, %dma_wait3A_326, %dma_wait3A_327] : memref<4x40x512xf32, #tpu.memory_space<vmem>> -> memref<1x40x512xf32, #tpu.memory_space<vmem>>
    %dma_wait3A_329 = tpu.memref_squeeze %dma_wait3A_328 : memref<1x40x512xf32, #tpu.memory_space<vmem>> -> memref<40x512xf32, #tpu.memory_space<vmem>>
    %dma_wait3A_330 = arith.constant 0 : i32
    %dma_wait3A_331 = tpu.memref_slice %arg5[%dma_wait3A_330] : memref<25600xi32, #tpu.memory_space<vmem>> -> memref<40xi32, #tpu.memory_space<vmem>>
    %dma_wait3A_332 = arith.constant 0 : i32
    %dma_wait3A_333 = arith.constant 0 : i32
    %dma_wait3A_334 = tpu.memref_slice %arg3[%dma_wait3A_332, %dma_wait3A_333] : memref<100000x512xf32, #tpu.memory_space<hbm>> -> memref<100000x512xf32, #tpu.memory_space<hbm>>
    tpu.wait_indirect_dma semaphore(%arg9 : memref<!tpu.dma_semaphore, #tpu.memory_space<semaphore_mem>>) src(%dma_wait3A_334 : memref<100000x512xf32, #tpu.memory_space<hbm>>) dst(%dma_wait3A_329 : memref<40x512xf32, #tpu.memory_space<vmem>>)
    %add3A_335 = arith.constant 25520 : i32
    %add3A_336 = arith.addi %multiple_of3A, %add3A_335 : i32
    %multiple_of3A_337 = tpu.assume_multiple %add3A_336, 8 : i32
    %dma_start3A_338 = arith.constant 2 : i32
    %dma_start3A_339 = arith.constant 0 : i32
    %dma_start3A_340 = arith.constant 0 : i32
    %dma_start3A_341 = tpu.memref_slice %arg6[%dma_start3A_338, %dma_start3A_339, %dma_start3A_340] : memref<4x40x512xf32, #tpu.memory_space<vmem>> -> memref<1x40x512xf32, #tpu.memory_space<vmem>>
    %dma_start3A_342 = tpu.memref_squeeze %dma_start3A_341 : memref<1x40x512xf32, #tpu.memory_space<vmem>> -> memref<40x512xf32, #tpu.memory_space<vmem>>
    %dma_start3A_343 = arith.constant 0 : i32
    %dma_start3A_344 = tpu.memref_slice %arg4[%multiple_of3A_337, %dma_start3A_343] : memref<819200x512xf32, #tpu.memory_space<hbm>> -> memref<40x512xf32, #tpu.memory_space<hbm>>
    %dma_start3A_345 = arith.constant 0 : i32
    %dma_start3A_346 = tpu.memref_slice %arg4[%multiple_of3A_337, %dma_start3A_345] : memref<819200x512xf32, #tpu.memory_space<hbm>> -> memref<40x512xf32, #tpu.memory_space<hbm>>
    %dma_start3A_347 = arith.constant 0 : i32
    %dma_start3A_348 = arith.constant 0 : i32
    %dma_start3A_349 = tpu.memref_slice %arg6[%dma_start3A_338, %dma_start3A_347, %dma_start3A_348] : memref<4x40x512xf32, #tpu.memory_space<vmem>> -> memref<1x40x512xf32, #tpu.memory_space<vmem>>
    %dma_start3A_350 = tpu.memref_squeeze %dma_start3A_349 : memref<1x40x512xf32, #tpu.memory_space<vmem>> -> memref<40x512xf32, #tpu.memory_space<vmem>>
    tpu.enqueue_dma source(%dma_start3A_350 : memref<40x512xf32, #tpu.memory_space<vmem>>) target(%dma_start3A_346 : memref<40x512xf32, #tpu.memory_space<hbm>>) target_semaphore(%arg13 : memref<!tpu.dma_semaphore, #tpu.memory_space<semaphore_mem>>)
    %dma_wait3A_351 = arith.constant 1 : i32
    %dma_wait3A_352 = arith.constant 0 : i32
    %dma_wait3A_353 = arith.constant 0 : i32
    %dma_wait3A_354 = tpu.memref_slice %arg6[%dma_wait3A_351, %dma_wait3A_352, %dma_wait3A_353] : memref<4x40x512xf32, #tpu.memory_space<vmem>> -> memref<1x40x512xf32, #tpu.memory_space<vmem>>
    %dma_wait3A_355 = tpu.memref_squeeze %dma_wait3A_354 : memref<1x40x512xf32, #tpu.memory_space<vmem>> -> memref<40x512xf32, #tpu.memory_space<vmem>>
    %dma_wait3A_356 = arith.constant 0 : i32
    %dma_wait3A_357 = arith.constant 0 : i32
    %dma_wait3A_358 = tpu.memref_slice %arg4[%dma_wait3A_356, %dma_wait3A_357] : memref<819200x512xf32, #tpu.memory_space<hbm>> -> memref<40x512xf32, #tpu.memory_space<hbm>>
    %dma_wait3A_359 = arith.constant 0 : i32
    %dma_wait3A_360 = arith.constant 0 : i32
    %dma_wait3A_361 = tpu.memref_slice %arg4[%dma_wait3A_359, %dma_wait3A_360] : memref<819200x512xf32, #tpu.memory_space<hbm>> -> memref<40x512xf32, #tpu.memory_space<hbm>>
    %dma_wait3A_362 = arith.constant 0 : i32
    %dma_wait3A_363 = arith.constant 0 : i32
    %dma_wait3A_364 = tpu.memref_slice %arg6[%dma_wait3A_351, %dma_wait3A_362, %dma_wait3A_363] : memref<4x40x512xf32, #tpu.memory_space<vmem>> -> memref<1x40x512xf32, #tpu.memory_space<vmem>>
    %dma_wait3A_365 = tpu.memref_squeeze %dma_wait3A_364 : memref<1x40x512xf32, #tpu.memory_space<vmem>> -> memref<40x512xf32, #tpu.memory_space<vmem>>
    tpu.wait_dma2 semaphore(%arg12 : memref<!tpu.dma_semaphore, #tpu.memory_space<semaphore_mem>>) src(%dma_wait3A_365 : memref<40x512xf32, #tpu.memory_space<vmem>>) dst(%dma_wait3A_361 : memref<40x512xf32, #tpu.memory_space<hbm>>)
    %dma_wait3A_366 = arith.constant 3 : i32
    %dma_wait3A_367 = arith.constant 0 : i32
    %dma_wait3A_368 = arith.constant 0 : i32
    %dma_wait3A_369 = tpu.memref_slice %arg6[%dma_wait3A_366, %dma_wait3A_367, %dma_wait3A_368] : memref<4x40x512xf32, #tpu.memory_space<vmem>> -> memref<1x40x512xf32, #tpu.memory_space<vmem>>
    %dma_wait3A_370 = tpu.memref_squeeze %dma_wait3A_369 : memref<1x40x512xf32, #tpu.memory_space<vmem>> -> memref<40x512xf32, #tpu.memory_space<vmem>>
    %dma_wait3A_371 = arith.constant 0 : i32
    %dma_wait3A_372 = tpu.memref_slice %arg5[%dma_wait3A_371] : memref<25600xi32, #tpu.memory_space<vmem>> -> memref<40xi32, #tpu.memory_space<vmem>>
    %dma_wait3A_373 = arith.constant 0 : i32
    %dma_wait3A_374 = arith.constant 0 : i32
    %dma_wait3A_375 = tpu.memref_slice %arg3[%dma_wait3A_373, %dma_wait3A_374] : memref<100000x512xf32, #tpu.memory_space<hbm>> -> memref<100000x512xf32, #tpu.memory_space<hbm>>
    tpu.wait_indirect_dma semaphore(%arg10 : memref<!tpu.dma_semaphore, #tpu.memory_space<semaphore_mem>>) src(%dma_wait3A_375 : memref<100000x512xf32, #tpu.memory_space<hbm>>) dst(%dma_wait3A_370 : memref<40x512xf32, #tpu.memory_space<vmem>>)
    %add3A_376 = arith.constant 25560 : i32
    %add3A_377 = arith.addi %multiple_of3A, %add3A_376 : i32
    %multiple_of3A_378 = tpu.assume_multiple %add3A_377, 8 : i32
    %dma_start3A_379 = arith.constant 3 : i32
    %dma_start3A_380 = arith.constant 0 : i32
    %dma_start3A_381 = arith.constant 0 : i32
    %dma_start3A_382 = tpu.memref_slice %arg6[%dma_start3A_379, %dma_start3A_380, %dma_start3A_381] : memref<4x40x512xf32, #tpu.memory_space<vmem>> -> memref<1x40x512xf32, #tpu.memory_space<vmem>>
    %dma_start3A_383 = tpu.memref_squeeze %dma_start3A_382 : memref<1x40x512xf32, #tpu.memory_space<vmem>> -> memref<40x512xf32, #tpu.memory_space<vmem>>
    %dma_start3A_384 = arith.constant 0 : i32
    %dma_start3A_385 = tpu.memref_slice %arg4[%multiple_of3A_378, %dma_start3A_384] : memref<819200x512xf32, #tpu.memory_space<hbm>> -> memref<40x512xf32, #tpu.memory_space<hbm>>
    %dma_start3A_386 = arith.constant 0 : i32
    %dma_start3A_387 = tpu.memref_slice %arg4[%multiple_of3A_378, %dma_start3A_386] : memref<819200x512xf32, #tpu.memory_space<hbm>> -> memref<40x512xf32, #tpu.memory_space<hbm>>
    %dma_start3A_388 = arith.constant 0 : i32
    %dma_start3A_389 = arith.constant 0 : i32
    %dma_start3A_390 = tpu.memref_slice %arg6[%dma_start3A_379, %dma_start3A_388, %dma_start3A_389] : memref<4x40x512xf32, #tpu.memory_space<vmem>> -> memref<1x40x512xf32, #tpu.memory_space<vmem>>
    %dma_start3A_391 = tpu.memref_squeeze %dma_start3A_390 : memref<1x40x512xf32, #tpu.memory_space<vmem>> -> memref<40x512xf32, #tpu.memory_space<vmem>>
    tpu.enqueue_dma source(%dma_start3A_391 : memref<40x512xf32, #tpu.memory_space<vmem>>) target(%dma_start3A_387 : memref<40x512xf32, #tpu.memory_space<hbm>>) target_semaphore(%arg14 : memref<!tpu.dma_semaphore, #tpu.memory_space<semaphore_mem>>)
    %dma_wait3A_392 = arith.constant 2 : i32
    %dma_wait3A_393 = arith.constant 0 : i32
    %dma_wait3A_394 = arith.constant 0 : i32
    %dma_wait3A_395 = tpu.memref_slice %arg6[%dma_wait3A_392, %dma_wait3A_393, %dma_wait3A_394] : memref<4x40x512xf32, #tpu.memory_space<vmem>> -> memref<1x40x512xf32, #tpu.memory_space<vmem>>
    %dma_wait3A_396 = tpu.memref_squeeze %dma_wait3A_395 : memref<1x40x512xf32, #tpu.memory_space<vmem>> -> memref<40x512xf32, #tpu.memory_space<vmem>>
    %dma_wait3A_397 = arith.constant 0 : i32
    %dma_wait3A_398 = arith.constant 0 : i32
    %dma_wait3A_399 = tpu.memref_slice %arg4[%dma_wait3A_397, %dma_wait3A_398] : memref<819200x512xf32, #tpu.memory_space<hbm>> -> memref<40x512xf32, #tpu.memory_space<hbm>>
    %dma_wait3A_400 = arith.constant 0 : i32
    %dma_wait3A_401 = arith.constant 0 : i32
    %dma_wait3A_402 = tpu.memref_slice %arg4[%dma_wait3A_400, %dma_wait3A_401] : memref<819200x512xf32, #tpu.memory_space<hbm>> -> memref<40x512xf32, #tpu.memory_space<hbm>>
    %dma_wait3A_403 = arith.constant 0 : i32
    %dma_wait3A_404 = arith.constant 0 : i32
    %dma_wait3A_405 = tpu.memref_slice %arg6[%dma_wait3A_392, %dma_wait3A_403, %dma_wait3A_404] : memref<4x40x512xf32, #tpu.memory_space<vmem>> -> memref<1x40x512xf32, #tpu.memory_space<vmem>>
    %dma_wait3A_406 = tpu.memref_squeeze %dma_wait3A_405 : memref<1x40x512xf32, #tpu.memory_space<vmem>> -> memref<40x512xf32, #tpu.memory_space<vmem>>
    tpu.wait_dma2 semaphore(%arg13 : memref<!tpu.dma_semaphore, #tpu.memory_space<semaphore_mem>>) src(%dma_wait3A_406 : memref<40x512xf32, #tpu.memory_space<vmem>>) dst(%dma_wait3A_402 : memref<40x512xf32, #tpu.memory_space<hbm>>)
    %dma_wait3A_407 = arith.constant 3 : i32
    %dma_wait3A_408 = arith.constant 0 : i32
    %dma_wait3A_409 = arith.constant 0 : i32
    %dma_wait3A_410 = tpu.memref_slice %arg6[%dma_wait3A_407, %dma_wait3A_408, %dma_wait3A_409] : memref<4x40x512xf32, #tpu.memory_space<vmem>> -> memref<1x40x512xf32, #tpu.memory_space<vmem>>
    %dma_wait3A_411 = tpu.memref_squeeze %dma_wait3A_410 : memref<1x40x512xf32, #tpu.memory_space<vmem>> -> memref<40x512xf32, #tpu.memory_space<vmem>>
    %dma_wait3A_412 = arith.constant 0 : i32
    %dma_wait3A_413 = arith.constant 0 : i32
    %dma_wait3A_414 = tpu.memref_slice %arg4[%dma_wait3A_412, %dma_wait3A_413] : memref<819200x512xf32, #tpu.memory_space<hbm>> -> memref<40x512xf32, #tpu.memory_space<hbm>>
    %dma_wait3A_415 = arith.constant 0 : i32
    %dma_wait3A_416 = arith.constant 0 : i32
    %dma_wait3A_417 = tpu.memref_slice %arg4[%dma_wait3A_415, %dma_wait3A_416] : memref<819200x512xf32, #tpu.memory_space<hbm>> -> memref<40x512xf32, #tpu.memory_space<hbm>>
    %dma_wait3A_418 = arith.constant 0 : i32
    %dma_wait3A_419 = arith.constant 0 : i32
    %dma_wait3A_420 = tpu.memref_slice %arg6[%dma_wait3A_407, %dma_wait3A_418, %dma_wait3A_419] : memref<4x40x512xf32, #tpu.memory_space<vmem>> -> memref<1x40x512xf32, #tpu.memory_space<vmem>>
    %dma_wait3A_421 = tpu.memref_squeeze %dma_wait3A_420 : memref<1x40x512xf32, #tpu.memory_space<vmem>> -> memref<40x512xf32, #tpu.memory_space<vmem>>
    tpu.wait_dma2 semaphore(%arg14 : memref<!tpu.dma_semaphore, #tpu.memory_space<semaphore_mem>>) src(%dma_wait3A_421 : memref<40x512xf32, #tpu.memory_space<vmem>>) dst(%dma_wait3A_417 : memref<40x512xf32, #tpu.memory_space<hbm>>)
    return
  }
}

</mosaic_0001>

<sc_bundles>
// kernel: kernel.3.cloned.1.call-start
scs
__scs_entry_jumppad:
0x0: {  	(pc) =	sbr.rel $0x88, $3  }
0x1: {  	(tag) =	ssettag $0x0;
	lr =	simm.s32 $0x1  }
0x2: {  	[smem:$0x3F9F] =	sst lr;
	_ =	strace $0xD0000000  }
0x3: {  	_ = 	snop  }
0x4: {  	_ = 	snop  }
0x5: {  	_ = 	snop  }
0x6: {  	_ = 	snop  }
0x7: {  	_ = 	snop  }
__scs_overlays_trampoline_lowered:
0x8: {  	[smem:$0x3FAE] =	sst s0  }
0x9: {  	[smem:$0x3FAF] =	sst s1  }
0xa: {  	[smem:$0x3FB0] =	sst s2  }
0xb: {  	[smem:$0x3FB1] =	sst s3  }
0xc: {  	[smem:$0x3FB2] =	sst s4  }
0xd: {  	[smem:$0x3FB3] =	sst s5  }
0xe: {  	[smem:$0x3FB4] =	sst s6  }
0xf: {  	[smem:$0x3FB5] =	sst s7  }
0x10: {  	[smem:$0x3FB6] =	sst s8  }
0x11: {  	[smem:$0x3FB7] =	sst s9;
	s0 =	simm.s32 @!p0 $0x0  }
0x12: {  	s1 =	sld [smem:$0x3F9D];
	s0 =	simm.s32 @p0 $0x1  }
0x13: {  	[smem:$0x3FB8] =	sst s0;
	s0 =	simm.s32 @!p1 $0x0  }
0x14: {  	s2 =	sld [smem:$0x3F9C];
	s0 =	simm.s32 @p1 $0x1  }
0x15: {  	[smem:$0x3FB9] =	sst s0;
	s0 =	simm.s32 @!p2 $0x0  }
0x16: {  	s3 =	sld [smem:$0x3FDB];
	s0 =	simm.s32 @p2 $0x1  }
0x17: {  	s4 =	simm.s32 $0x1BF5;
	[smem:$0x3FBB] =	sst s0  }
0x18: {  	s0 =	sld [smem:$0x3F9E];
	_ =	swait.ge [sflag:s4], $0x0  }
0x19: {  	s7 =	sld [smem:$0x3F9F]  }
0x1a: {  	s8 =	sadd.s32 $0xFFFFE003, lr  }
0x1b: {  	s9 =	sadd.s32 $0xFFFFFEF7, lr;
	s5 =	simm.s32 $0xFFFFFFFF;
	p2 =	slt.u32 s8, $0xFFFFF086  }
0x1c: {  	p1 =	slt.u32 s9, $0xF7A;
	s5 =	simm.s32 @!p2 $0x0  }
0x1d: {  	s5 =	simm.s32 @p1 $0x1;
	p0 =	seq.s32 s7, s2  }
0x1e: {  	s7 =	smul.u32 @!p0 $0xF7A, s2;
	p2 =	seq.s32 @!p0 s5, $0x0  }
0x1f: {  	s9 =	smul.u32 $0xF7A, s1;
	s8 =	simm.s32 @!p0 $0x1BF5;
	p2 =	por !p2, p0  }
0x20: {  	[sflag:s8] =	ssyncset.s32 @!p0 $0xFFFFF086;
	s6 =	sadd.s32 @!p0 s3, s7;
	s7 =	simm.s32 @!p0 $0x108  }
0x21: {  	s3 =	sadd.s32 s3, s9;
	s6 =	sadd.s32 @!p0 $0x88, s6;
	s7 =	simm.s32 @p2 $0x1082  }
0x22: {  	[simem:s7], [sflag:s8] =	dma.local @!p0 [hbm:s6], $0xF7A  }
0x23: {  	s9 =	sor.u32 $0xD0000000, s2;
	s6 =	simm.s32 $0x108;
	_ =	swait.ge @!p0 [sflag:s8], $0x0  }
0x24: {  	s3 =	sadd.s32 $0x88, s3;
	s6 =	simm.s32 @!p1 $0x1082;
	[sflag:s4] =	ssyncset.s32 $0xFFFFF086  }
0x25: {  	[simem:s6], [sflag:s4] =	dma.local [hbm:s3], $0xF7A  }
0x26: {  	[smem:$0x3F9F] =	sst s1;
	(tag) =	ssettag s2;
	_ =	strace s9  }
0x27: {  	s1 =	sld [smem:$0x3FAF]  }
0x28: {  	s2 =	sld [smem:$0x3FB0]  }
0x29: {  	s4 =	sld [smem:$0x3FB2]  }
0x2a: {  	p0 =	seq.s32 s5, $0x0;
	s5 =	sld [smem:$0x3FB3]  }
0x2b: {  	s6 =	sld [smem:$0x3FB4]  }
0x2c: {  	s7 =	sld [smem:$0x3FB5]  }
0x2d: {  	s3 =	simm.s32 $0x108;
	s8 =	sld [smem:$0x3FB6]  }
0x2e: {  	s3 =	simm.s32 @!p0 $0x1082;
	s9 =	sld [smem:$0x3FB7]  }
0x2f: {  	lr =	sadd.s32 s0, s3;
	s0 =	sld [smem:$0x3FAE]  }
0x30: {  	s3 =	sld [smem:$0x3FB1]  }
0x31: {  	[smem:$0x3FBA] =	sst s10  }
0x32: {  	s10 =	sld [smem:$0x3FB8];
	_ =	sdelay $0x3  }
0x33: {  	p0 =	seq.s32 s10, $0x1;
	s10 =	sld [smem:$0x3FBA];
	_ =	sdelay $0x3  }
0x34: {  	[smem:$0x3FBA] =	sst s10  }
0x35: {  	s10 =	sld [smem:$0x3FB9];
	_ =	sdelay $0x3  }
0x36: {  	p1 =	seq.s32 s10, $0x1;
	s10 =	sld [smem:$0x3FBA];
	_ =	sdelay $0x3  }
0x37: {  	[smem:$0x3FBA] =	sst s10  }
0x38: {  	s10 =	sld [smem:$0x3FBB]  }
0x39: {  	_ = 	snop;
	(pc) =	sbr.ind lr, $3  }
0x3a: {  	_ = 	snop  }
0x3b: {  	_ = 	snop  }
0x3c: {  	p2 =	seq.s32 s10, $0x1;
	s10 =	sld [smem:$0x3FBA]  }
0x3d: {  	_ =	shalt  }
0x3e: {  	_ =	shalt  }
0x3f: {  	_ =	shalt  }
0x40: {  	_ =	shalt  }
0x41: {  	_ =	shalt  }
0x42: {  	_ =	shalt  }
0x43: {  	_ =	shalt  }
0x44: {  	_ =	shalt  }
0x45: {  	_ =	shalt  }
0x46: {  	_ =	shalt  }
0x47: {  	_ =	shalt  }
0x48: {  	_ =	shalt  }
0x49: {  	_ =	shalt  }
0x4a: {  	_ =	shalt  }
0x4b: {  	_ =	shalt  }
0x4c: {  	_ =	shalt  }
0x4d: {  	_ =	shalt  }
0x4e: {  	_ =	shalt  }
0x4f: {  	_ =	shalt  }
0x50: {  	_ =	shalt  }
0x51: {  	_ =	shalt  }
0x52: {  	_ =	shalt  }
0x53: {  	_ =	shalt  }
0x54: {  	_ =	shalt  }
0x55: {  	_ =	shalt  }
0x56: {  	_ =	shalt  }
0x57: {  	_ =	shalt  }
0x58: {  	_ =	shalt  }
0x59: {  	_ =	shalt  }
0x5a: {  	_ =	shalt  }
0x5b: {  	_ =	shalt  }
0x5c: {  	_ =	shalt  }
0x5d: {  	_ =	shalt  }
0x5e: {  	_ =	shalt  }
0x5f: {  	_ =	shalt  }
0x60: {  	_ =	shalt  }
0x61: {  	_ =	shalt  }
0x62: {  	_ =	shalt  }
0x63: {  	_ =	shalt  }
0x64: {  	_ =	shalt  }
0x65: {  	_ =	shalt  }
0x66: {  	_ =	shalt  }
0x67: {  	_ =	shalt  }
0x68: {  	_ =	shalt  }
0x69: {  	_ =	shalt  }
0x6a: {  	_ =	shalt  }
0x6b: {  	_ =	shalt  }
0x6c: {  	_ =	shalt  }
0x6d: {  	_ =	shalt  }
0x6e: {  	_ =	shalt  }
0x6f: {  	_ =	shalt  }
0x70: {  	_ =	shalt  }
0x71: {  	_ =	shalt  }
0x72: {  	_ =	shalt  }
0x73: {  	_ =	shalt  }
0x74: {  	_ =	shalt  }
0x75: {  	_ =	shalt  }
0x76: {  	_ =	shalt  }
0x77: {  	_ =	shalt  }
0x78: {  	_ =	shalt  }
0x79: {  	_ =	shalt  }
0x7a: {  	_ =	shalt  }
0x7b: {  	_ =	shalt  }
0x7c: {  	_ =	shalt  }
0x7d: {  	_ =	shalt  }
0x7e: {  	_ =	shalt  }
0x7f: {  	_ =	shalt  }
0x80: {  	_ =	shalt  }
0x81: {  	_ =	shalt  }
0x82: {  	_ =	shalt  }
0x83: {  	_ =	shalt  }
0x84: {  	_ =	shalt  }
0x85: {  	_ =	shalt  }
0x86: {  	_ =	shalt  }
0x87: {  	_ =	shalt  }
.Lfunc_end0:
.L_simem_size_0:
called_computation_lowered:
.L_overlay_start_0:
0x88: {  	s2 =	sld [smem:$0x3FD9]  }
0x89: {  	s3 =	sld [smem:$0x3FFE];
	_ =	sdelay $0x1  }
0x8a: {  	s1 =	srdreg.scid  }
0x8b: {  	s0 =	sand.u32 $0x1, s1  }
0x8c: {  	s17 =	sshll.u32 s0, $0xA;
	s2 =	sadd.s32 s3, s2  }
0x8d: {  	s2 =	sadd.s32 s2, s17  }
0x8e: {  	[smem:$0x3FC6] =	sst s2  }
0x8f: {  	_ = 	snop  }
0x90: {  	s2 =	sld [smem:$0x3FC8]  }
0x91: {  	s18 =	sld [smem:$0x3FD0];
	(tm) =	ssettm $0x1  }
0x92: {  	s4 =	sld [smem:$0x3FFB];
	_ =	sdelay $0x3  }
0x93: {  	_ =	strace s4  }
0x94: {  	s4 =	sld [smem:$0x3FFC];
	_ =	sdelay $0x3  }
0x95: {  	_ =	strace s4  }
0x96: {  	s4 =	sld [smem:$0x3FFD];
	_ =	sdelay $0x3  }
0x97: {  	_ =	strace s4  }
0x98: {  	_ =	strace $0x8FFFFFFF  }
0x99: {  	s19 =	sld [smem:$0x3FDB];
	_ =	sdelay $0x1  }
0x9a: {  	s5 =	simm.s32 $_scs_section_size  }
0x9b: {  	s6 =	simm.s32 $_size__tile_overlayer_lowered;
	s7 =	simm.s32 $_tile_overlayer_lowered  }
0x9c: {  	s22 =	simm.s32 $0x1BFF;
	s21 =	sshll.u32 s7, $0x1;
	s4 =	sadd.s32 s5, s19  }
0x9d: {  	s8 =	simm.s32 $0x0;
	s20 =	sshll.u32 s6, $0x1;
	s6 =	sadd.s32 s21, s4  }
0x9e: {  	[timem:s8], [sflag:s22] =	dma.local [hbm:s6], s20  }
0x9f: {  	_ =	swait.ge [sflag:s22], s20  }
0xa0: {  	s5 =	ssub.s32 $0x0, s20;
	[sflag:s22] =	ssyncset.done $0x0  }
0xa1: {  	[sflag:s22] =	ssyncadd.s32 s5;
	_ =	sdelay $0x1  }
0xa2: {  	s23 =	simm.s32 $0x1B8B  }
0xa3: {  	_ =	swait.ge [sflag:s23], $0x1  }
0xa4: {  	[sflag:s23] =	ssyncset.done $0x0  }
0xa5: {  	s25 =	simm.s32 $0x1B8E;
	s24 =	sld [smem:$0x3FFE];
	[sflag:s23] =	ssyncadd.s32 $0xFFFFFFFF  }
0xa6: {  	s26 =	simm.s32 $execute0_lowered;
	[smem:$0x3FD2] =	sst s25  }
0xa7: {  	s6 =	sshll.u32 s26, $0x1;
	_ =	strace $0x80000046;
	[dreg:$0x1] =	wrdreg $0xFFFFFFFF  }
0xa8: {  	s28 =	simm.s32 $_size_execute0_lowered;
	s4 =	sadd.s32 s4, s6;
	[dreg:$0x0] =	wrdreg $0x0  }
0xa9: {  	s6 =	sshll.u32 s28, $0x1;
	[dreg:$0x2] =	wrdreg s4  }
0xaa: {  	[dreg:$0x3] =	wrdreg s6  }
0xab: {  	[dreg:$0x4] =	wrdreg $0xC0  }
0xac: {  	_ =	task [dreg:s8], $0x5FFFF  }
0xad: {  	[dreg:$0x1] =	wrdreg $0xFFFFFFFF  }
0xae: {  	[dreg:$0x0] =	wrdreg $0x60  }
0xaf: {  	[dreg:$0x2] =	wrdreg s24  }
0xb0: {  	[dreg:$0x3] =	wrdreg s2  }
0xb1: {  	[dreg:$0x4] =	wrdreg s18  }
0xb2: {  	[dreg:$0x5] =	wrdreg $0x9  }
0xb3: {  	_ =	task.clear_ibuf [dreg:s8], $0x6FFFF;
	_ =	strace $0x90000046  }
0xb4: {  	s29 =	simm.s32 $0x9;
	_ =	strace $0x80000048  }
0xb5: {  	_ =	swait.ge [sflag:s29], $0x1  }
0xb6: {  	[sflag:s29] =	ssyncadd.s32 $0xFFFFFFFF  }
0xb7: {  	_ =	strace $0x90000048  }
0xb8: {  	_ =	sfence  }
0xb9: {  	s30 =	sld [smem:$0x0];
	_ =	sdelay $0x2  }
0xba: {  	s31 =	sshll.u32 s1, $0xD;
	s1 =	sshrl.u32 s1, $0x2  }
0xbb: {  	s3 =	sand.u32 $0x4000, s31;
	s1 =	sadd.s32 s1, s30  }
0xbc: {  	s0 =	sor.u32 s3, s0;
	s1 =	sshll.u32 s1, $0x11  }
0xbd: {  	s0 =	sor.u32 s1, s0  }
0xbe: {  	s0 =	sadd.s32 $0x8F2B, s0  }
0xbf: {  	[sflag:s0] =	ssyncadd.remote.s32 $0x1  }
0xc0: {  	_ =	sfence.sel $0xFFFF  }
0xc1: {  	[dreg:$0x0] =	wrdreg $0xFFFFFFFF;
	(pc) =	sbr.abs _section_cstart, $3  }
0xc2: {  	[dreg:$0x1] =	wrdreg $0xFFFFFFFF  }
0xc3: {  	_ =	task.clear_ibuf [dreg:s8], $0x2FFFF;
	_ =	strace $0x9FFFFFFF  }
0xc4: {  	(tm) =	ssettm $0x7FFFFFFF  }
0xc5: {  	_ =	shalt  }
tec
execute0_lowered:
.L_overlay_start_1:
0x0: {  	(tag) =	ssettag $0x1  }
0x1: {  	s0 =	rddreg [dreg:$0x0]  }
0x2: {  	s2 =	rddreg [dreg:$0x1]  }
0x3: {  	s1 =	srdreg.scid;
	s9 =	stileid.u32  }
0x4: {  	s4 =	rddreg [dreg:$0x2];
	s3 =	simm.s32 $0x0;
	s12 =	simm.s32 $0x6C00  }
0x5: {  	s13 =	simm.s32 $0x7400;
	s14 =	simm.s32 $0x7C00;
	s15 =	simm.s32 $0x8400  }
0x6: {  	s28 =	simm.s32 $0xD400;
	s30 =	simm.s32 $0xEC00;
	s29 =	simm.s32 $0xF400  }
0x7: {  	s31 =	simm.s32 $0x1;
	s1 =	sand.u32 $0x1, s1;
	s5 =	sshll.u32 s9, $0x1  }
0x8: {  	s10 =	simm.s32 $0x4;
	s21 =	smul.u32 $0x320000, s9;
	s5 =	sor.u32 s1, s5  }
0x9: {  	s11 =	simm.s32 $0x8;
	[smem:$0x7FF] =	sst s3;
	s6 =	smul.u32 $0x6400, s5  }
0xa: {  	s9 =	simm.s32 $0x0;
	s7 =	ssub.s32 $0x2, s1;
	s8 =	smul.u32 $0x190000, s5  }
0xb: {  	_ =	strace $0x80000047;
	s17 =	sshrl.u32 s7, $0x1;
	s5 =	smul.u32 $0xC80000, s5  }
0xc: {  	s1 =	smul.u32 $0x190000, s1;
	s7 =	ssub.s32 s7, s17;
	s17 =	simm.s32 $0x8C00  }
0xd: {  	s6 =	sshrl.u32 s6, $0x3;
	s8 =	sadd.s32 s4, s8;
	s19 =	sshrl.u32 s5, $0x3  }
0xe: {  	s25 =	smax.u32 s7, $0x1;
	s7 =	simm.s32 $0x3;
	[dreg:$0x6] =	wrdreg s8  }
0xf: {  	s0 =	sadd.s32 s6, s0;
	s18 =	sadd.s32 $0xA00, s8;
	[dreg:$0xe] =	wrdreg s25  }
0x10: {  	s6 =	sadd.s32 $0x100, s2;
	s20 =	sadd.s32 $0x1400, s8;
	[dreg:$0x7] =	wrdreg s18  }
0x11: {  	s8 =	sadd.s32 $0x1E00, s8;
	s25 =	simm.s32 $0xCC00;
	[dreg:$0x8] =	wrdreg s20  }
0x12: {  	s0 =	sadd.s32 $0x400, s0;
	[dreg:$0x9] =	wrdreg s8;
	s18 =	simm.s32 $0x9400  }
0x13: {  	s20 =	simm.s32 $0x9C00;
	[dreg:$0x5] =	wrdreg s0;
	s0 =	sadd.s32 s4, s19  }
0x14: {  	s8 =	simm.s32 $0x7;
	s4 =	sadd.s32 s21, s4;
	s22 =	sadd.s32 $0x18D800, s0  }
0x15: {  	s21 =	simm.s32 $0xA400;
	s23 =	sadd.s32 $0x18E200, s0;
	[dreg:$0xa] =	wrdreg s22  }
0x16: {  	s19 =	simm.s32 $0xDC00;
	s24 =	sadd.s32 $0x18EC00, s0;
	[dreg:$0xb] =	wrdreg s23  }
0x17: {  	s0 =	sadd.s32 $0x18F600, s0;
	s26 =	sadd.s32 s1, s4;
	[dreg:$0xc] =	wrdreg s24  }
0x18: {  	v2 =	vlaneseq.u32;
	s1 =	simm.s32 $0x5;
	s4 =	simm.s32 $0x6;
	[dreg:$0xd] =	wrdreg s0  }
0x19: {  	vm0 =	vmmov $0xffff;
	v1 =	vshrl.u32 v2, $0x3;
	[dreg:$0x4] =	wrdreg s26;
	s22 =	simm.s32 $0xAC00;
	s23 =	simm.s32 $0xBC00  }
0x1a: {  	v0 =	vand.u32 $0x7, v2;
	v2 =	vor.u32 $0x8, v2;
	v1 =	vmul.u32 $0x8, v1;
	s24 =	simm.s32 $0xC400;
	s26 =	simm.s32 $0xE400;
	s0 =	simm.s32 $0x2  }
.LBB2_1:
0x1b: {  	[dreg:$0xf] =	wrdreg s9  }
0x1c: {  	s5 =	rddreg [dreg:$0x5];
	s9 =	simm.s32 $0x9  }
0x1d: {  	[tilespmem:s3], [sflag:$0x9] =	stream.linear.gather [hbm4b:s5+s3], $0x6400, $0x38;
	[tilespmem:$0x1A400] =	vst v63  }
0x1e: {  	_ =	swait.ge [sflag:s9], $0x6400  }
0x1f: {  	[sflag:s9] =	ssyncset.done $0x0  }
0x20: {  	[sflag:s9] =	ssyncadd.s32 $0xFFFF9C00  }
0x21: {  	v3 =	vld [tilespmem:$0x0];
	_ =	sdelay $0x4  }
0x22: {  	v4 =	vshll.u32 v3, $0x2  }
0x23: {  	v3 =	vand.u32 $0x7, v3;
	v4 =	vand.u32 $0xFFFFFFE0, v4  }
0x24: {  	v3 =	vor.u32 v3, v4  }
0x25: {  	v4 =	vperm.xlane v3, v0;
	_ =	sdelay $0x1  }
0x26: {  	v4 =	vadd.s32 v1, v4;
	_ =	sdelay $0x1  }
0x27: {  	v3 =	vperm.xlane v3, v2;
	_ =	sdelay $0x1  }
0x28: {  	s16 =	simm.s32 $0x6400;
	v3 =	vadd.s32 v1, v3  }
0x29: {  	[tilespmem:s16], [sflag:$0x1] =	stream.indirect_vreg.gather [hbm4b:s2+s3], $0x80, v4, vm0, $0xb8;
	[tilespmem:$0x1A400] =	vst v63  }
0x2a: {  	_ = 	snop  }
0x2b: {  	[tilespmem:s12], [sflag:$0x1] =	stream.indirect_vreg.gather [hbm4b:s6+s3], $0x80, v4, vm0, $0xb8;
	[tilespmem:$0x1A400] =	vst v63  }
0x2c: {  	_ = 	snop  }
0x2d: {  	[tilespmem:s13], [sflag:$0x1] =	stream.indirect_vreg.gather [hbm4b:s2+s3], $0x80, v3, vm0, $0xb8;
	[tilespmem:$0x1A400] =	vst v63  }
0x2e: {  	_ = 	snop  }
0x2f: {  	[tilespmem:s14], [sflag:$0x1] =	stream.indirect_vreg.gather [hbm4b:s6+s3], $0x80, v3, vm0, $0xb8;
	[tilespmem:$0x1A400] =	vst v63  }
0x30: {  	v3 =	vld [tilespmem:$0x10];
	_ =	sdelay $0x4  }
0x31: {  	v44 =	vshll.u32 v3, $0x2  }
0x32: {  	v3 =	vand.u32 $0x7, v3;
	v4 =	vand.u32 $0xFFFFFFE0, v44  }
0x33: {  	v3 =	vor.u32 v3, v4  }
0x34: {  	v4 =	vperm.xlane v3, v0;
	_ =	sdelay $0x1  }
0x35: {  	v4 =	vadd.s32 v1, v4;
	_ =	sdelay $0x1  }
0x36: {  	v3 =	vperm.xlane v3, v2;
	_ =	sdelay $0x1  }
0x37: {  	v3 =	vadd.s32 v1, v3  }
0x38: {  	[tilespmem:s15], [sflag:$0x1] =	stream.indirect_vreg.gather [hbm4b:s2+s3], $0x80, v4, vm0, $0xb8;
	[tilespmem:$0x1A400] =	vst v63  }
0x39: {  	_ = 	snop  }
0x3a: {  	[tilespmem:s17], [sflag:$0x1] =	stream.indirect_vreg.gather [hbm4b:s6+s3], $0x80, v4, vm0, $0xb8;
	[tilespmem:$0x1A400] =	vst v63  }
0x3b: {  	_ = 	snop  }
0x3c: {  	[tilespmem:s18], [sflag:$0x1] =	stream.indirect_vreg.gather [hbm4b:s2+s3], $0x80, v3, vm0, $0xb8;
	[tilespmem:$0x1A400] =	vst v63  }
0x3d: {  	_ = 	snop  }
0x3e: {  	[tilespmem:s20], [sflag:$0x1] =	stream.indirect_vreg.gather [hbm4b:s6+s3], $0x80, v3, vm0, $0xb8;
	[tilespmem:$0x1A400] =	vst v63  }
0x3f: {  	v3 =	vld.msk [tilespmem:$0x20], $0xff;
	_ =	sdelay $0x4  }
0x40: {  	v45 =	vshll.u32 v3, $0x2  }
0x41: {  	v3 =	vand.u32 $0x7, v3;
	v4 =	vand.u32 $0xFFFFFFE0, v45  }
0x42: {  	v3 =	vor.u32 v3, v4  }
0x43: {  	v3 =	vperm.xlane v3, v0;
	_ =	sdelay $0x1  }
0x44: {  	v3 =	vadd.s32 v1, v3;
	_ =	sdelay $0x4  }
0x45: {  	[tilespmem:s21], [sflag:$0x1] =	stream.indirect_vreg.gather [hbm4b:s2+s3], $0x80, v3, vm0, $0xb8;
	[tilespmem:$0x1A400] =	vst v63  }
0x46: {  	_ = 	snop  }
0x47: {  	[tilespmem:s22], [sflag:$0x1] =	stream.indirect_vreg.gather [hbm4b:s6+s3], $0x80, v3, vm0, $0xb8;
	[tilespmem:$0x1A400] =	vst v63  }
0x48: {  	v3 =	vld [tilespmem:$0x28];
	_ =	sdelay $0x4  }
0x49: {  	v46 =	vshll.u32 v3, $0x2  }
0x4a: {  	v3 =	vand.u32 $0x7, v3;
	v4 =	vand.u32 $0xFFFFFFE0, v46  }
0x4b: {  	v3 =	vor.u32 v3, v4  }
0x4c: {  	v4 =	vperm.xlane v3, v0;
	_ =	sdelay $0x1  }
0x4d: {  	v4 =	vadd.s32 v1, v4;
	_ =	sdelay $0x1  }
0x4e: {  	v3 =	vperm.xlane v3, v2;
	_ =	sdelay $0x1  }
0x4f: {  	s9 =	simm.s32 $0xB400;
	v3 =	vadd.s32 v1, v3  }
0x50: {  	[tilespmem:s9], [sflag:$0x2] =	stream.indirect_vreg.gather [hbm4b:s2+s3], $0x80, v4, vm0, $0xb8;
	[tilespmem:$0x1A400] =	vst v63  }
0x51: {  	_ = 	snop  }
0x52: {  	[tilespmem:s23], [sflag:$0x2] =	stream.indirect_vreg.gather [hbm4b:s6+s3], $0x80, v4, vm0, $0xb8;
	[tilespmem:$0x1A400] =	vst v63  }
0x53: {  	_ = 	snop  }
0x54: {  	[tilespmem:s24], [sflag:$0x2] =	stream.indirect_vreg.gather [hbm4b:s2+s3], $0x80, v3, vm0, $0xb8;
	[tilespmem:$0x1A400] =	vst v63  }
0x55: {  	_ = 	snop  }
0x56: {  	[tilespmem:s25], [sflag:$0x2] =	stream.indirect_vreg.gather [hbm4b:s6+s3], $0x80, v3, vm0, $0xb8;
	[tilespmem:$0x1A400] =	vst v63  }
0x57: {  	v3 =	vld [tilespmem:$0x38];
	_ =	sdelay $0x4  }
0x58: {  	v47 =	vshll.u32 v3, $0x2  }
0x59: {  	v3 =	vand.u32 $0x7, v3;
	v4 =	vand.u32 $0xFFFFFFE0, v47  }
0x5a: {  	v3 =	vor.u32 v3, v4  }
0x5b: {  	v4 =	vperm.xlane v3, v0;
	_ =	sdelay $0x1  }
0x5c: {  	v4 =	vadd.s32 v1, v4;
	_ =	sdelay $0x1  }
0x5d: {  	v3 =	vperm.xlane v3, v2;
	_ =	sdelay $0x1  }
0x5e: {  	v3 =	vadd.s32 v1, v3  }
0x5f: {  	[tilespmem:s28], [sflag:$0x2] =	stream.indirect_vreg.gather [hbm4b:s2+s3], $0x80, v4, vm0, $0xb8;
	[tilespmem:$0x1A400] =	vst v63  }
0x60: {  	_ = 	snop  }
0x61: {  	[tilespmem:s19], [sflag:$0x2] =	stream.indirect_vreg.gather [hbm4b:s6+s3], $0x80, v4, vm0, $0xb8;
	[tilespmem:$0x1A400] =	vst v63  }
0x62: {  	_ = 	snop  }
0x63: {  	[tilespmem:s26], [sflag:$0x2] =	stream.indirect_vreg.gather [hbm4b:s2+s3], $0x80, v3, vm0, $0xb8;
	[tilespmem:$0x1A400] =	vst v63  }
0x64: {  	_ = 	snop  }
0x65: {  	[tilespmem:s30], [sflag:$0x2] =	stream.indirect_vreg.gather [hbm4b:s6+s3], $0x80, v3, vm0, $0xb8;
	[tilespmem:$0x1A400] =	vst v63  }
0x66: {  	v3 =	vld.msk [tilespmem:$0x48], $0xff;
	_ =	sdelay $0x4  }
0x67: {  	v48 =	vshll.u32 v3, $0x2  }
0x68: {  	v3 =	vand.u32 $0x7, v3;
	v4 =	vand.u32 $0xFFFFFFE0, v48  }
0x69: {  	v3 =	vor.u32 v3, v4  }
0x6a: {  	v3 =	vperm.xlane v3, v0;
	_ =	sdelay $0x1  }
0x6b: {  	v3 =	vadd.s32 v1, v3;
	_ =	sdelay $0x4  }
0x6c: {  	[tilespmem:s29], [sflag:$0x2] =	stream.indirect_vreg.gather [hbm4b:s2+s3], $0x80, v3, vm0, $0xb8;
	[tilespmem:$0x1A400] =	vst v63  }
0x6d: {  	s5 =	simm.s32 $0xFC00  }
0x6e: {  	[tilespmem:s5], [sflag:$0x2] =	stream.indirect_vreg.gather [hbm4b:s6+s3], $0x80, v3, vm0, $0xb8;
	[tilespmem:$0x1A400] =	vst v63  }
0x6f: {  	v3 =	vld [tilespmem:$0x50];
	_ =	sdelay $0x4  }
0x70: {  	v49 =	vshll.u32 v3, $0x2  }
0x71: {  	v3 =	vand.u32 $0x7, v3;
	v4 =	vand.u32 $0xFFFFFFE0, v49  }
0x72: {  	v3 =	vor.u32 v3, v4  }
0x73: {  	v4 =	vperm.xlane v3, v0;
	_ =	sdelay $0x1  }
0x74: {  	v4 =	vadd.s32 v1, v4;
	_ =	sdelay $0x1  }
0x75: {  	v3 =	vperm.xlane v3, v2;
	_ =	sdelay $0x1  }
0x76: {  	s29 =	simm.s32 $0x10400;
	v3 =	vadd.s32 v1, v3  }
0x77: {  	[tilespmem:s29], [sflag:$0x3] =	stream.indirect_vreg.gather [hbm4b:s2+s3], $0x80, v4, vm0, $0xb8;
	[tilespmem:$0x1A400] =	vst v63  }
0x78: {  	s5 =	simm.s32 $0x10C00  }
0x79: {  	[tilespmem:s5], [sflag:$0x3] =	stream.indirect_vreg.gather [hbm4b:s6+s3], $0x80, v4, vm0, $0xb8;
	[tilespmem:$0x1A400] =	vst v63  }
0x7a: {  	s5 =	simm.s32 $0x11400  }
0x7b: {  	[tilespmem:s5], [sflag:$0x3] =	stream.indirect_vreg.gather [hbm4b:s2+s3], $0x80, v3, vm0, $0xb8;
	[tilespmem:$0x1A400] =	vst v63  }
0x7c: {  	s5 =	simm.s32 $0x11C00  }
0x7d: {  	[tilespmem:s5], [sflag:$0x3] =	stream.indirect_vreg.gather [hbm4b:s6+s3], $0x80, v3, vm0, $0xb8;
	[tilespmem:$0x1A400] =	vst v63  }
0x7e: {  	v3 =	vld [tilespmem:$0x60];
	_ =	sdelay $0x4  }
0x7f: {  	v50 =	vshll.u32 v3, $0x2  }
0x80: {  	v3 =	vand.u32 $0x7, v3;
	v4 =	vand.u32 $0xFFFFFFE0, v50  }
0x81: {  	v3 =	vor.u32 v3, v4  }
0x82: {  	v4 =	vperm.xlane v3, v0;
	_ =	sdelay $0x1  }
0x83: {  	v4 =	vadd.s32 v1, v4;
	_ =	sdelay $0x1  }
0x84: {  	v3 =	vperm.xlane v3, v2;
	_ =	sdelay $0x1  }
0x85: {  	s5 =	simm.s32 $0x12400;
	v3 =	vadd.s32 v1, v3  }
0x86: {  	[tilespmem:s5], [sflag:$0x3] =	stream.indirect_vreg.gather [hbm4b:s2+s3], $0x80, v4, vm0, $0xb8;
	[tilespmem:$0x1A400] =	vst v63  }
0x87: {  	s5 =	simm.s32 $0x12C00  }
0x88: {  	[tilespmem:s5], [sflag:$0x3] =	stream.indirect_vreg.gather [hbm4b:s6+s3], $0x80, v4, vm0, $0xb8;
	[tilespmem:$0x1A400] =	vst v63  }
0x89: {  	s5 =	simm.s32 $0x13400  }
0x8a: {  	[tilespmem:s5], [sflag:$0x3] =	stream.indirect_vreg.gather [hbm4b:s2+s3], $0x80, v3, vm0, $0xb8;
	[tilespmem:$0x1A400] =	vst v63  }
0x8b: {  	s5 =	simm.s32 $0x13C00  }
0x8c: {  	[tilespmem:s5], [sflag:$0x3] =	stream.indirect_vreg.gather [hbm4b:s6+s3], $0x80, v3, vm0, $0xb8;
	[tilespmem:$0x1A400] =	vst v63  }
0x8d: {  	v3 =	vld.msk [tilespmem:$0x70], $0xff;
	_ =	sdelay $0x4  }
0x8e: {  	v51 =	vshll.u32 v3, $0x2  }
0x8f: {  	v3 =	vand.u32 $0x7, v3;
	v4 =	vand.u32 $0xFFFFFFE0, v51  }
0x90: {  	v3 =	vor.u32 v3, v4  }
0x91: {  	v3 =	vperm.xlane v3, v0;
	_ =	sdelay $0x1  }
0x92: {  	v3 =	vadd.s32 v1, v3;
	_ =	sdelay $0x3  }
0x93: {  	s5 =	simm.s32 $0x14400  }
0x94: {  	[tilespmem:s5], [sflag:$0x3] =	stream.indirect_vreg.gather [hbm4b:s2+s3], $0x80, v3, vm0, $0xb8;
	[tilespmem:$0x1A400] =	vst v63  }
0x95: {  	s5 =	simm.s32 $0x14C00  }
0x96: {  	[tilespmem:s5], [sflag:$0x3] =	stream.indirect_vreg.gather [hbm4b:s6+s3], $0x80, v3, vm0, $0xb8;
	[tilespmem:$0x1A400] =	vst v63  }
0x97: {  	v3 =	vld [tilespmem:$0x78];
	_ =	sdelay $0x4  }
0x98: {  	v52 =	vshll.u32 v3, $0x2  }
0x99: {  	v3 =	vand.u32 $0x7, v3;
	v4 =	vand.u32 $0xFFFFFFE0, v52  }
0x9a: {  	v3 =	vor.u32 v3, v4  }
0x9b: {  	v4 =	vperm.xlane v3, v0;
	_ =	sdelay $0x1  }
0x9c: {  	v4 =	vadd.s32 v1, v4;
	_ =	sdelay $0x1  }
0x9d: {  	v3 =	vperm.xlane v3, v2;
	_ =	sdelay $0x1  }
0x9e: {  	s5 =	simm.s32 $0x15400;
	v3 =	vadd.s32 v1, v3  }
0x9f: {  	[tilespmem:s5], [sflag:$0x4] =	stream.indirect_vreg.gather [hbm4b:s2+s3], $0x80, v4, vm0, $0xb8;
	[tilespmem:$0x1A400] =	vst v63  }
0xa0: {  	s5 =	simm.s32 $0x15C00  }
0xa1: {  	[tilespmem:s5], [sflag:$0x4] =	stream.indirect_vreg.gather [hbm4b:s6+s3], $0x80, v4, vm0, $0xb8;
	[tilespmem:$0x1A400] =	vst v63  }
0xa2: {  	s5 =	simm.s32 $0x16400  }
0xa3: {  	[tilespmem:s5], [sflag:$0x4] =	stream.indirect_vreg.gather [hbm4b:s2+s3], $0x80, v3, vm0, $0xb8;
	[tilespmem:$0x1A400] =	vst v63  }
0xa4: {  	s5 =	simm.s32 $0x16C00  }
0xa5: {  	[tilespmem:s5], [sflag:$0x4] =	stream.indirect_vreg.gather [hbm4b:s6+s3], $0x80, v3, vm0, $0xb8;
	[tilespmem:$0x1A400] =	vst v63  }
0xa6: {  	v3 =	vld [tilespmem:$0x88];
	_ =	sdelay $0x4  }
0xa7: {  	v53 =	vshll.u32 v3, $0x2  }
0xa8: {  	v3 =	vand.u32 $0x7, v3;
	v4 =	vand.u32 $0xFFFFFFE0, v53  }
0xa9: {  	v3 =	vor.u32 v3, v4  }
0xaa: {  	v4 =	vperm.xlane v3, v0;
	_ =	sdelay $0x1  }
0xab: {  	v4 =	vadd.s32 v1, v4;
	_ =	sdelay $0x1  }
0xac: {  	v3 =	vperm.xlane v3, v2;
	_ =	sdelay $0x1  }
0xad: {  	s5 =	simm.s32 $0x17400;
	v3 =	vadd.s32 v1, v3  }
0xae: {  	[tilespmem:s5], [sflag:$0x4] =	stream.indirect_vreg.gather [hbm4b:s2+s3], $0x80, v4, vm0, $0xb8;
	[tilespmem:$0x1A400] =	vst v63  }
0xaf: {  	s5 =	simm.s32 $0x17C00  }
0xb0: {  	[tilespmem:s5], [sflag:$0x4] =	stream.indirect_vreg.gather [hbm4b:s6+s3], $0x80, v4, vm0, $0xb8;
	[tilespmem:$0x1A400] =	vst v63  }
0xb1: {  	s5 =	simm.s32 $0x18400  }
0xb2: {  	[tilespmem:s5], [sflag:$0x4] =	stream.indirect_vreg.gather [hbm4b:s2+s3], $0x80, v3, vm0, $0xb8;
	[tilespmem:$0x1A400] =	vst v63  }
0xb3: {  	s5 =	simm.s32 $0x18C00  }
0xb4: {  	[tilespmem:s5], [sflag:$0x4] =	stream.indirect_vreg.gather [hbm4b:s6+s3], $0x80, v3, vm0, $0xb8;
	[tilespmem:$0x1A400] =	vst v63  }
0xb5: {  	v3 =	vld.msk [tilespmem:$0x98], $0xff;
	_ =	sdelay $0x4  }
0xb6: {  	v54 =	vshll.u32 v3, $0x2  }
0xb7: {  	v3 =	vand.u32 $0x7, v3;
	v4 =	vand.u32 $0xFFFFFFE0, v54  }
0xb8: {  	v3 =	vor.u32 v3, v4  }
0xb9: {  	v3 =	vperm.xlane v3, v0;
	_ =	sdelay $0x1  }
0xba: {  	v3 =	vadd.s32 v1, v3;
	_ =	sdelay $0x3  }
0xbb: {  	s5 =	simm.s32 $0x19400  }
0xbc: {  	[tilespmem:s5], [sflag:$0x4] =	stream.indirect_vreg.gather [hbm4b:s2+s3], $0x80, v3, vm0, $0xb8;
	[tilespmem:$0x1A400] =	vst v63  }
0xbd: {  	s5 =	simm.s32 $0x19C00  }
0xbe: {  	[tilespmem:s5], [sflag:$0x4] =	stream.indirect_vreg.gather [hbm4b:s6+s3], $0x80, v3, vm0, $0xb8;
	[tilespmem:$0x1A400] =	vst v63  }
0xbf: {  	_ =	swait.ge [sflag:s31], $0x5000  }
0xc0: {  	[sflag:s31] =	ssyncset.done $0x0  }
0xc1: {  	s5 =	rddreg [dreg:$0x6];
	[sflag:s31] =	ssyncadd.s32 $0xFFFFB000  }
0xc2: {  	[hbm4b:s5+s3] =	stream.linear.scatter [tilespmem:s16], [sflag:$0x5], $0x5000, $0x38;
	[tilespmem:$0x1A400] =	vst v63  }
0xc3: {  	_ =	swait.ge [sflag:s1], $0x5000  }
0xc4: {  	[sflag:s1] =	ssyncset.done $0x0  }
0xc5: {  	[sflag:s1] =	ssyncadd.s32 $0xFFFFB000  }
0xc6: {  	v3 =	vld [tilespmem:$0xA0];
	_ =	sdelay $0x4  }
0xc7: {  	v55 =	vshll.u32 v3, $0x2  }
0xc8: {  	v3 =	vand.u32 $0x7, v3;
	v4 =	vand.u32 $0xFFFFFFE0, v55  }
0xc9: {  	v3 =	vor.u32 v3, v4  }
0xca: {  	v4 =	vperm.xlane v3, v0;
	_ =	sdelay $0x1  }
0xcb: {  	v4 =	vadd.s32 v1, v4;
	_ =	sdelay $0x1  }
0xcc: {  	v3 =	vperm.xlane v3, v2;
	_ =	sdelay $0x1  }
0xcd: {  	v3 =	vadd.s32 v1, v3  }
0xce: {  	[tilespmem:s16], [sflag:$0x1] =	stream.indirect_vreg.gather [hbm4b:s2+s3], $0x80, v4, vm0, $0xb8;
	[tilespmem:$0x1A400] =	vst v63  }
0xcf: {  	_ = 	snop  }
0xd0: {  	[tilespmem:s12], [sflag:$0x1] =	stream.indirect_vreg.gather [hbm4b:s6+s3], $0x80, v4, vm0, $0xb8;
	[tilespmem:$0x1A400] =	vst v63  }
0xd1: {  	_ = 	snop  }
0xd2: {  	[tilespmem:s13], [sflag:$0x1] =	stream.indirect_vreg.gather [hbm4b:s2+s3], $0x80, v3, vm0, $0xb8;
	[tilespmem:$0x1A400] =	vst v63  }
0xd3: {  	_ = 	snop  }
0xd4: {  	[tilespmem:s14], [sflag:$0x1] =	stream.indirect_vreg.gather [hbm4b:s6+s3], $0x80, v3, vm0, $0xb8;
	[tilespmem:$0x1A400] =	vst v63  }
0xd5: {  	v3 =	vld [tilespmem:$0xB0];
	_ =	sdelay $0x4  }
0xd6: {  	v56 =	vshll.u32 v3, $0x2  }
0xd7: {  	v3 =	vand.u32 $0x7, v3;
	v4 =	vand.u32 $0xFFFFFFE0, v56  }
0xd8: {  	v3 =	vor.u32 v3, v4  }
0xd9: {  	v4 =	vperm.xlane v3, v0;
	_ =	sdelay $0x1  }
0xda: {  	v4 =	vadd.s32 v1, v4;
	_ =	sdelay $0x1  }
0xdb: {  	v3 =	vperm.xlane v3, v2;
	_ =	sdelay $0x1  }
0xdc: {  	v3 =	vadd.s32 v1, v3  }
0xdd: {  	[tilespmem:s15], [sflag:$0x1] =	stream.indirect_vreg.gather [hbm4b:s2+s3], $0x80, v4, vm0, $0xb8;
	[tilespmem:$0x1A400] =	vst v63  }
0xde: {  	_ = 	snop  }
0xdf: {  	[tilespmem:s17], [sflag:$0x1] =	stream.indirect_vreg.gather [hbm4b:s6+s3], $0x80, v4, vm0, $0xb8;
	[tilespmem:$0x1A400] =	vst v63  }
0xe0: {  	_ = 	snop  }
0xe1: {  	[tilespmem:s18], [sflag:$0x1] =	stream.indirect_vreg.gather [hbm4b:s2+s3], $0x80, v3, vm0, $0xb8;
	[tilespmem:$0x1A400] =	vst v63  }
0xe2: {  	_ = 	snop  }
0xe3: {  	[tilespmem:s20], [sflag:$0x1] =	stream.indirect_vreg.gather [hbm4b:s6+s3], $0x80, v3, vm0, $0xb8;
	[tilespmem:$0x1A400] =	vst v63  }
0xe4: {  	v3 =	vld.msk [tilespmem:$0xC0], $0xff;
	_ =	sdelay $0x4  }
0xe5: {  	v57 =	vshll.u32 v3, $0x2  }
0xe6: {  	v3 =	vand.u32 $0x7, v3;
	v4 =	vand.u32 $0xFFFFFFE0, v57  }
0xe7: {  	v3 =	vor.u32 v3, v4  }
0xe8: {  	v3 =	vperm.xlane v3, v0;
	_ =	sdelay $0x1  }
0xe9: {  	v3 =	vadd.s32 v1, v3;
	_ =	sdelay $0x4  }
0xea: {  	[tilespmem:s21], [sflag:$0x1] =	stream.indirect_vreg.gather [hbm4b:s2+s3], $0x80, v3, vm0, $0xb8;
	[tilespmem:$0x1A400] =	vst v63  }
0xeb: {  	_ = 	snop  }
0xec: {  	[tilespmem:s22], [sflag:$0x1] =	stream.indirect_vreg.gather [hbm4b:s6+s3], $0x80, v3, vm0, $0xb8;
	[tilespmem:$0x1A400] =	vst v63  }
0xed: {  	_ =	swait.ge [sflag:s0], $0x5000  }
0xee: {  	[sflag:s0] =	ssyncset.done $0x0  }
0xef: {  	s13 =	rddreg [dreg:$0x7];
	[sflag:s0] =	ssyncadd.s32 $0xFFFFB000  }
0xf0: {  	[hbm4b:s13+s3] =	stream.linear.scatter [tilespmem:s9], [sflag:$0x6], $0x5000, $0x38;
	[tilespmem:$0x1A400] =	vst v63  }
0xf1: {  	_ =	swait.ge [sflag:s4], $0x5000  }
0xf2: {  	[sflag:s4] =	ssyncset.done $0x0  }
0xf3: {  	[sflag:s4] =	ssyncadd.s32 $0xFFFFB000  }
0xf4: {  	v3 =	vld [tilespmem:$0xC8];
	_ =	sdelay $0x4  }
0xf5: {  	v58 =	vshll.u32 v3, $0x2  }
0xf6: {  	v3 =	vand.u32 $0x7, v3;
	v4 =	vand.u32 $0xFFFFFFE0, v58  }
0xf7: {  	v3 =	vor.u32 v3, v4  }
0xf8: {  	v4 =	vperm.xlane v3, v0;
	_ =	sdelay $0x1  }
0xf9: {  	v4 =	vadd.s32 v1, v4;
	_ =	sdelay $0x1  }
0xfa: {  	v3 =	vperm.xlane v3, v2;
	_ =	sdelay $0x1  }
0xfb: {  	v3 =	vadd.s32 v1, v3  }
0xfc: {  	[tilespmem:s9], [sflag:$0x2] =	stream.indirect_vreg.gather [hbm4b:s2+s3], $0x80, v4, vm0, $0xb8;
	[tilespmem:$0x1A400] =	vst v63  }
0xfd: {  	_ = 	snop  }
0xfe: {  	[tilespmem:s23], [sflag:$0x2] =	stream.indirect_vreg.gather [hbm4b:s6+s3], $0x80, v4, vm0, $0xb8;
	[tilespmem:$0x1A400] =	vst v63  }
0xff: {  	_ = 	snop  }
0x100: {  	[tilespmem:s24], [sflag:$0x2] =	stream.indirect_vreg.gather [hbm4b:s2+s3], $0x80, v3, vm0, $0xb8;
	[tilespmem:$0x1A400] =	vst v63  }
0x101: {  	_ = 	snop  }
0x102: {  	[tilespmem:s25], [sflag:$0x2] =	stream.indirect_vreg.gather [hbm4b:s6+s3], $0x80, v3, vm0, $0xb8;
	[tilespmem:$0x1A400] =	vst v63  }
0x103: {  	v3 =	vld [tilespmem:$0xD8];
	_ =	sdelay $0x4  }
0x104: {  	v59 =	vshll.u32 v3, $0x2  }
0x105: {  	v3 =	vand.u32 $0x7, v3;
	v4 =	vand.u32 $0xFFFFFFE0, v59  }
0x106: {  	v3 =	vor.u32 v3, v4  }
0x107: {  	v4 =	vperm.xlane v3, v0;
	_ =	sdelay $0x1  }
0x108: {  	v4 =	vadd.s32 v1, v4;
	_ =	sdelay $0x1  }
0x109: {  	v3 =	vperm.xlane v3, v2;
	_ =	sdelay $0x1  }
0x10a: {  	v3 =	vadd.s32 v1, v3  }
0x10b: {  	[tilespmem:s28], [sflag:$0x2] =	stream.indirect_vreg.gather [hbm4b:s2+s3], $0x80, v4, vm0, $0xb8;
	[tilespmem:$0x1A400] =	vst v63  }
0x10c: {  	_ = 	snop  }
0x10d: {  	[tilespmem:s19], [sflag:$0x2] =	stream.indirect_vreg.gather [hbm4b:s6+s3], $0x80, v4, vm0, $0xb8;
	[tilespmem:$0x1A400] =	vst v63  }
0x10e: {  	_ = 	snop  }
0x10f: {  	[tilespmem:s26], [sflag:$0x2] =	stream.indirect_vreg.gather [hbm4b:s2+s3], $0x80, v3, vm0, $0xb8;
	[tilespmem:$0x1A400] =	vst v63  }
0x110: {  	_ = 	snop  }
0x111: {  	[tilespmem:s30], [sflag:$0x2] =	stream.indirect_vreg.gather [hbm4b:s6+s3], $0x80, v3, vm0, $0xb8;
	[tilespmem:$0x1A400] =	vst v63  }
0x112: {  	v3 =	vld.msk [tilespmem:$0xE8], $0xff;
	_ =	sdelay $0x4  }
0x113: {  	v60 =	vshll.u32 v3, $0x2  }
0x114: {  	v3 =	vand.u32 $0x7, v3;
	v4 =	vand.u32 $0xFFFFFFE0, v60  }
0x115: {  	v3 =	vor.u32 v3, v4  }
0x116: {  	v3 =	vperm.xlane v3, v0;
	_ =	sdelay $0x1  }
0x117: {  	v3 =	vadd.s32 v1, v3;
	_ =	sdelay $0x3  }
0x118: {  	s14 =	simm.s32 $0xF400  }
0x119: {  	[tilespmem:s14], [sflag:$0x2] =	stream.indirect_vreg.gather [hbm4b:s2+s3], $0x80, v3, vm0, $0xb8;
	[tilespmem:$0x1A400] =	vst v63  }
0x11a: {  	s15 =	simm.s32 $0xFC00  }
0x11b: {  	[tilespmem:s15], [sflag:$0x2] =	stream.indirect_vreg.gather [hbm4b:s6+s3], $0x80, v3, vm0, $0xb8;
	[tilespmem:$0x1A400] =	vst v63  }
0x11c: {  	_ =	swait.ge [sflag:s7], $0x5000  }
0x11d: {  	[sflag:s7] =	ssyncset.done $0x0  }
0x11e: {  	s16 =	rddreg [dreg:$0x8];
	[sflag:s7] =	ssyncadd.s32 $0xFFFFB000  }
0x11f: {  	[hbm4b:s16+s3] =	stream.linear.scatter [tilespmem:s29], [sflag:$0x7], $0x5000, $0x38;
	[tilespmem:$0x1A400] =	vst v63  }
0x120: {  	_ =	swait.ge [sflag:s8], $0x5000  }
0x121: {  	[sflag:s8] =	ssyncset.done $0x0  }
0x122: {  	[sflag:s8] =	ssyncadd.s32 $0xFFFFB000  }
0x123: {  	v3 =	vld [tilespmem:$0xF0];
	_ =	sdelay $0x4  }
0x124: {  	v61 =	vshll.u32 v3, $0x2  }
0x125: {  	v3 =	vand.u32 $0x7, v3;
	v4 =	vand.u32 $0xFFFFFFE0, v61  }
0x126: {  	v3 =	vor.u32 v3, v4  }
0x127: {  	v4 =	vperm.xlane v3, v0;
	_ =	sdelay $0x1  }
0x128: {  	v4 =	vadd.s32 v1, v4;
	_ =	sdelay $0x1  }
0x129: {  	v3 =	vperm.xlane v3, v2;
	_ =	sdelay $0x1  }
0x12a: {  	v3 =	vadd.s32 v1, v3  }
0x12b: {  	[tilespmem:s29], [sflag:$0x3] =	stream.indirect_vreg.gather [hbm4b:s2+s3], $0x80, v4, vm0, $0xb8;
	[tilespmem:$0x1A400] =	vst v63  }
0x12c: {  	s17 =	simm.s32 $0x10C00  }
0x12d: {  	[tilespmem:s17], [sflag:$0x3] =	stream.indirect_vreg.gather [hbm4b:s6+s3], $0x80, v4, vm0, $0xb8;
	[tilespmem:$0x1A400] =	vst v63  }
0x12e: {  	s18 =	simm.s32 $0x11400  }
0x12f: {  	[tilespmem:s18], [sflag:$0x3] =	stream.indirect_vreg.gather [hbm4b:s2+s3], $0x80, v3, vm0, $0xb8;
	[tilespmem:$0x1A400] =	vst v63  }
0x130: {  	s19 =	simm.s32 $0x11C00  }
0x131: {  	[tilespmem:s19], [sflag:$0x3] =	stream.indirect_vreg.gather [hbm4b:s6+s3], $0x80, v3, vm0, $0xb8;
	[tilespmem:$0x1A400] =	vst v63  }
0x132: {  	v3 =	vld [tilespmem:$0x100];
	_ =	sdelay $0x4  }
0x133: {  	v62 =	vshll.u32 v3, $0x2  }
0x134: {  	v3 =	vand.u32 $0x7, v3;
	v4 =	vand.u32 $0xFFFFFFE0, v62  }
0x135: {  	v3 =	vor.u32 v3, v4  }
0x136: {  	v4 =	vperm.xlane v3, v0;
	_ =	sdelay $0x1  }
0x137: {  	v4 =	vadd.s32 v1, v4;
	_ =	sdelay $0x1  }
0x138: {  	v3 =	vperm.xlane v3, v2;
	_ =	sdelay $0x1  }
0x139: {  	s20 =	simm.s32 $0x12400;
	v3 =	vadd.s32 v1, v3  }
0x13a: {  	[tilespmem:s20], [sflag:$0x3] =	stream.indirect_vreg.gather [hbm4b:s2+s3], $0x80, v4, vm0, $0xb8;
	[tilespmem:$0x1A400] =	vst v63  }
0x13b: {  	s21 =	simm.s32 $0x12C00  }
0x13c: {  	[tilespmem:s21], [sflag:$0x3] =	stream.indirect_vreg.gather [hbm4b:s6+s3], $0x80, v4, vm0, $0xb8;
	[tilespmem:$0x1A400] =	vst v63  }
0x13d: {  	s22 =	simm.s32 $0x13400  }
0x13e: {  	[tilespmem:s22], [sflag:$0x3] =	stream.indirect_vreg.gather [hbm4b:s2+s3], $0x80, v3, vm0, $0xb8;
	[tilespmem:$0x1A400] =	vst v63  }
0x13f: {  	s23 =	simm.s32 $0x13C00  }
0x140: {  	[tilespmem:s23], [sflag:$0x3] =	stream.indirect_vreg.gather [hbm4b:s6+s3], $0x80, v3, vm0, $0xb8;
	[tilespmem:$0x1A400] =	vst v63  }
0x141: {  	v3 =	vld.msk [tilespmem:$0x110], $0xff;
	_ =	sdelay $0x4  }
0x142: {  	v63 =	vshll.u32 v3, $0x2  }
0x143: {  	v3 =	vand.u32 $0x7, v3;
	v4 =	vand.u32 $0xFFFFFFE0, v63  }
0x144: {  	v3 =	vor.u32 v3, v4  }
0x145: {  	v3 =	vperm.xlane v3, v0;
	_ =	sdelay $0x1  }
0x146: {  	v3 =	vadd.s32 v1, v3;
	_ =	sdelay $0x1  }
0x147: {  	s12 =	simm.s32 $0x1B0  }
0x148: {  	s13 =	simm.s32 $0x0;
	s24 =	simm.s32 $0x14400;
	s25 =	simm.s32 $0x14C00  }
0x149: {  	s28 =	simm.s32 $0x15400;
	s30 =	simm.s32 $0xCC00;
	s16 =	simm.s32 $0xEC00  }
0x14a: {  	[tilespmem:s24], [sflag:$0x3] =	stream.indirect_vreg.gather [hbm4b:s2+s3], $0x80, v3, vm0, $0xb8;
	[tilespmem:$0x1A400] =	vst v63  }
0x14b: {  	s29 =	simm.s32 $0xC400;
	s17 =	simm.s32 $0x7400;
	s18 =	simm.s32 $0x7C00  }
0x14c: {  	[tilespmem:s25], [sflag:$0x3] =	stream.indirect_vreg.gather [hbm4b:s6+s3], $0x80, v3, vm0, $0xb8;
	[tilespmem:$0x1A400] =	vst v63  }
0x14d: {  	s20 =	simm.s32 $0xE400;
	s21 =	simm.s32 $0x8C00;
	_ =	swait.ge [sflag:s10], $0x5000  }
0x14e: {  	s22 =	simm.s32 $0x9400;
	s24 =	simm.s32 $0xA400;
	[sflag:s10] =	ssyncset.done $0x0  }
0x14f: {  	s25 =	simm.s32 $0xAC00;
	s26 =	rddreg [dreg:$0x9];
	[sflag:s10] =	ssyncadd.s32 $0xFFFFB000  }
0x150: {  	[hbm4b:s26+s3] =	stream.linear.scatter [tilespmem:s28], [sflag:$0x8], $0x5000, $0x38;
	[tilespmem:$0x1A400] =	vst v63  }
.LBB2_2:
0x151: {  	_ =	swait.ge [sflag:s11], $0x5000  }
0x152: {  	[sflag:s11] =	ssyncset.done $0x0  }
0x153: {  	[sflag:s11] =	ssyncadd.s32 $0xFFFFB000  }
0x154: {  	v3 =	vld [tilespmem:s12+$0xFFFFFF68];
	_ =	sdelay $0x4  }
0x155: {  	v4 =	vshll.u32 v3, $0x2  }
0x156: {  	v3 =	vand.u32 $0x7, v3;
	v4 =	vand.u32 $0xFFFFFFE0, v4  }
0x157: {  	v3 =	vor.u32 v3, v4  }
0x158: {  	v4 =	vperm.xlane v3, v0;
	_ =	sdelay $0x1  }
0x159: {  	v4 =	vadd.s32 v1, v4;
	_ =	sdelay $0x1  }
0x15a: {  	v3 =	vperm.xlane v3, v2;
	_ =	sdelay $0x1  }
0x15b: {  	s23 =	simm.s32 $0x15400;
	v3 =	vadd.s32 v1, v3  }
0x15c: {  	[tilespmem:s23], [sflag:$0x4] =	stream.indirect_vreg.gather [hbm4b:s2+s3], $0x80, v4, vm0, $0xb8;
	[tilespmem:$0x1A400] =	vst v63  }
0x15d: {  	s5 =	simm.s32 $0x15C00  }
0x15e: {  	[tilespmem:s5], [sflag:$0x4] =	stream.indirect_vreg.gather [hbm4b:s6+s3], $0x80, v4, vm0, $0xb8;
	[tilespmem:$0x1A400] =	vst v63  }
0x15f: {  	s14 =	simm.s32 $0x16400  }
0x160: {  	[tilespmem:s14], [sflag:$0x4] =	stream.indirect_vreg.gather [hbm4b:s2+s3], $0x80, v3, vm0, $0xb8;
	[tilespmem:$0x1A400] =	vst v63  }
0x161: {  	s15 =	simm.s32 $0x16C00  }
0x162: {  	[tilespmem:s15], [sflag:$0x4] =	stream.indirect_vreg.gather [hbm4b:s6+s3], $0x80, v3, vm0, $0xb8;
	[tilespmem:$0x1A400] =	vst v63  }
0x163: {  	v3 =	vld [tilespmem:s12+$0xFFFFFF78];
	_ =	sdelay $0x4  }
0x164: {  	v53 =	vshll.u32 v3, $0x2  }
0x165: {  	v3 =	vand.u32 $0x7, v3;
	v4 =	vand.u32 $0xFFFFFFE0, v53  }
0x166: {  	v3 =	vor.u32 v3, v4  }
0x167: {  	v4 =	vperm.xlane v3, v0;
	_ =	sdelay $0x1  }
0x168: {  	v4 =	vadd.s32 v1, v4;
	_ =	sdelay $0x1  }
0x169: {  	v3 =	vperm.xlane v3, v2;
	_ =	sdelay $0x1  }
0x16a: {  	s19 =	simm.s32 $0x17400;
	v3 =	vadd.s32 v1, v3  }
0x16b: {  	[tilespmem:s19], [sflag:$0x4] =	stream.indirect_vreg.gather [hbm4b:s2+s3], $0x80, v4, vm0, $0xb8;
	[tilespmem:$0x1A400] =	vst v63  }
0x16c: {  	s26 =	simm.s32 $0x17C00  }
0x16d: {  	[tilespmem:s26], [sflag:$0x4] =	stream.indirect_vreg.gather [hbm4b:s6+s3], $0x80, v4, vm0, $0xb8;
	[tilespmem:$0x1A400] =	vst v63  }
0x16e: {  	s9 =	simm.s32 $0x18400  }
0x16f: {  	[tilespmem:s9], [sflag:$0x4] =	stream.indirect_vreg.gather [hbm4b:s2+s3], $0x80, v3, vm0, $0xb8;
	[tilespmem:$0x1A400] =	vst v63  }
0x170: {  	s14 =	simm.s32 $0x18C00  }
0x171: {  	[tilespmem:s14], [sflag:$0x4] =	stream.indirect_vreg.gather [hbm4b:s6+s3], $0x80, v3, vm0, $0xb8;
	[tilespmem:$0x1A400] =	vst v63  }
0x172: {  	v3 =	vld.msk [tilespmem:s12+$0xFFFFFF88], $0xff;
	_ =	sdelay $0x4  }
0x173: {  	v54 =	vshll.u32 v3, $0x2  }
0x174: {  	v3 =	vand.u32 $0x7, v3;
	v4 =	vand.u32 $0xFFFFFFE0, v54  }
0x175: {  	v3 =	vor.u32 v3, v4  }
0x176: {  	v3 =	vperm.xlane v3, v0;
	_ =	sdelay $0x1  }
0x177: {  	v3 =	vadd.s32 v1, v3;
	_ =	sdelay $0x3  }
0x178: {  	s15 =	simm.s32 $0x19400  }
0x179: {  	[tilespmem:s15], [sflag:$0x4] =	stream.indirect_vreg.gather [hbm4b:s2+s3], $0x80, v3, vm0, $0xb8;
	[tilespmem:$0x1A400] =	vst v63  }
0x17a: {  	s19 =	simm.s32 $0x19C00  }
0x17b: {  	[tilespmem:s19], [sflag:$0x4] =	stream.indirect_vreg.gather [hbm4b:s6+s3], $0x80, v3, vm0, $0xb8;
	[tilespmem:$0x1A400] =	vst v63  }
0x17c: {  	_ =	swait.ge [sflag:s31], $0x5000  }
0x17d: {  	s14 =	rddreg [dreg:$0x4]  }
0x17e: {  	[sflag:s31] =	ssyncset.done $0x0;
	s14 =	sadd.s32 s13, s14  }
0x17f: {  	s9 =	simm.s32 $0x6400;
	[sflag:s31] =	ssyncadd.s32 $0xFFFFB000;
	s26 =	sadd.s32 $0x2800, s14  }
0x180: {  	[hbm4b:s26+s3] =	stream.linear.scatter [tilespmem:s9], [sflag:$0x5], $0x5000, $0x38;
	[tilespmem:$0x1A400] =	vst v63  }
0x181: {  	_ =	swait.ge [sflag:s1], $0x5000  }
0x182: {  	[sflag:s1] =	ssyncset.done $0x0  }
0x183: {  	[sflag:s1] =	ssyncadd.s32 $0xFFFFB000  }
0x184: {  	v3 =	vld [tilespmem:s12+$0xFFFFFF90];
	_ =	sdelay $0x4  }
0x185: {  	v55 =	vshll.u32 v3, $0x2  }
0x186: {  	v3 =	vand.u32 $0x7, v3;
	v4 =	vand.u32 $0xFFFFFFE0, v55  }
0x187: {  	v3 =	vor.u32 v3, v4  }
0x188: {  	v4 =	vperm.xlane v3, v0;
	_ =	sdelay $0x1  }
0x189: {  	v4 =	vadd.s32 v1, v4;
	_ =	sdelay $0x1  }
0x18a: {  	v3 =	vperm.xlane v3, v2;
	_ =	sdelay $0x1  }
0x18b: {  	v3 =	vadd.s32 v1, v3  }
0x18c: {  	[tilespmem:s9], [sflag:$0x1] =	stream.indirect_vreg.gather [hbm4b:s2+s3], $0x80, v4, vm0, $0xb8;
	[tilespmem:$0x1A400] =	vst v63  }
0x18d: {  	s9 =	simm.s32 $0x6C00  }
0x18e: {  	[tilespmem:s9], [sflag:$0x1] =	stream.indirect_vreg.gather [hbm4b:s6+s3], $0x80, v4, vm0, $0xb8;
	[tilespmem:$0x1A400] =	vst v63  }
0x18f: {  	_ = 	snop  }
0x190: {  	[tilespmem:s17], [sflag:$0x1] =	stream.indirect_vreg.gather [hbm4b:s2+s3], $0x80, v3, vm0, $0xb8;
	[tilespmem:$0x1A400] =	vst v63  }
0x191: {  	_ = 	snop  }
0x192: {  	[tilespmem:s18], [sflag:$0x1] =	stream.indirect_vreg.gather [hbm4b:s6+s3], $0x80, v3, vm0, $0xb8;
	[tilespmem:$0x1A400] =	vst v63  }
0x193: {  	v3 =	vld [tilespmem:s12+$0xFFFFFFA0];
	_ =	sdelay $0x4  }
0x194: {  	v56 =	vshll.u32 v3, $0x2  }
0x195: {  	v3 =	vand.u32 $0x7, v3;
	v4 =	vand.u32 $0xFFFFFFE0, v56  }
0x196: {  	v3 =	vor.u32 v3, v4  }
0x197: {  	v4 =	vperm.xlane v3, v0;
	_ =	sdelay $0x1  }
0x198: {  	v4 =	vadd.s32 v1, v4;
	_ =	sdelay $0x1  }
0x199: {  	v3 =	vperm.xlane v3, v2;
	_ =	sdelay $0x1  }
0x19a: {  	s15 =	simm.s32 $0x8400;
	v3 =	vadd.s32 v1, v3  }
0x19b: {  	[tilespmem:s15], [sflag:$0x1] =	stream.indirect_vreg.gather [hbm4b:s2+s3], $0x80, v4, vm0, $0xb8;
	[tilespmem:$0x1A400] =	vst v63  }
0x19c: {  	_ = 	snop  }
0x19d: {  	[tilespmem:s21], [sflag:$0x1] =	stream.indirect_vreg.gather [hbm4b:s6+s3], $0x80, v4, vm0, $0xb8;
	[tilespmem:$0x1A400] =	vst v63  }
0x19e: {  	_ = 	snop  }
0x19f: {  	[tilespmem:s22], [sflag:$0x1] =	stream.indirect_vreg.gather [hbm4b:s2+s3], $0x80, v3, vm0, $0xb8;
	[tilespmem:$0x1A400] =	vst v63  }
0x1a0: {  	s19 =	simm.s32 $0x9C00  }
0x1a1: {  	[tilespmem:s19], [sflag:$0x1] =	stream.indirect_vreg.gather [hbm4b:s6+s3], $0x80, v3, vm0, $0xb8;
	[tilespmem:$0x1A400] =	vst v63  }
0x1a2: {  	v3 =	vld.msk [tilespmem:s12+$0xFFFFFFB0], $0xff;
	_ =	sdelay $0x4  }
0x1a3: {  	v57 =	vshll.u32 v3, $0x2  }
0x1a4: {  	v3 =	vand.u32 $0x7, v3;
	v4 =	vand.u32 $0xFFFFFFE0, v57  }
0x1a5: {  	v3 =	vor.u32 v3, v4  }
0x1a6: {  	v3 =	vperm.xlane v3, v0;
	_ =	sdelay $0x1  }
0x1a7: {  	v3 =	vadd.s32 v1, v3;
	_ =	sdelay $0x4  }
0x1a8: {  	[tilespmem:s24], [sflag:$0x1] =	stream.indirect_vreg.gather [hbm4b:s2+s3], $0x80, v3, vm0, $0xb8;
	[tilespmem:$0x1A400] =	vst v63  }
0x1a9: {  	_ = 	snop  }
0x1aa: {  	[tilespmem:s25], [sflag:$0x1] =	stream.indirect_vreg.gather [hbm4b:s6+s3], $0x80, v3, vm0, $0xb8;
	[tilespmem:$0x1A400] =	vst v63  }
0x1ab: {  	_ =	swait.ge [sflag:s0], $0x5000  }
0x1ac: {  	[sflag:s0] =	ssyncset.done $0x0  }
0x1ad: {  	s9 =	sadd.s32 $0x3200, s14;
	s19 =	simm.s32 $0xB400;
	[sflag:s0] =	ssyncadd.s32 $0xFFFFB000  }
0x1ae: {  	[hbm4b:s9+s3] =	stream.linear.scatter [tilespmem:s19], [sflag:$0x6], $0x5000, $0x38;
	[tilespmem:$0x1A400] =	vst v63  }
0x1af: {  	_ =	swait.ge [sflag:s4], $0x5000  }
0x1b0: {  	[sflag:s4] =	ssyncset.done $0x0  }
0x1b1: {  	[sflag:s4] =	ssyncadd.s32 $0xFFFFB000  }
0x1b2: {  	v3 =	vld [tilespmem:s12+$0xFFFFFFB8];
	_ =	sdelay $0x4  }
0x1b3: {  	v58 =	vshll.u32 v3, $0x2  }
0x1b4: {  	v3 =	vand.u32 $0x7, v3;
	v4 =	vand.u32 $0xFFFFFFE0, v58  }
0x1b5: {  	v3 =	vor.u32 v3, v4  }
0x1b6: {  	v4 =	vperm.xlane v3, v0;
	_ =	sdelay $0x1  }
0x1b7: {  	v4 =	vadd.s32 v1, v4;
	_ =	sdelay $0x1  }
0x1b8: {  	v3 =	vperm.xlane v3, v2;
	_ =	sdelay $0x1  }
0x1b9: {  	v3 =	vadd.s32 v1, v3  }
0x1ba: {  	[tilespmem:s19], [sflag:$0x2] =	stream.indirect_vreg.gather [hbm4b:s2+s3], $0x80, v4, vm0, $0xb8;
	[tilespmem:$0x1A400] =	vst v63  }
0x1bb: {  	s15 =	simm.s32 $0xBC00  }
0x1bc: {  	[tilespmem:s15], [sflag:$0x2] =	stream.indirect_vreg.gather [hbm4b:s6+s3], $0x80, v4, vm0, $0xb8;
	[tilespmem:$0x1A400] =	vst v63  }
0x1bd: {  	_ = 	snop  }
0x1be: {  	[tilespmem:s29], [sflag:$0x2] =	stream.indirect_vreg.gather [hbm4b:s2+s3], $0x80, v3, vm0, $0xb8;
	[tilespmem:$0x1A400] =	vst v63  }
0x1bf: {  	_ = 	snop  }
0x1c0: {  	[tilespmem:s30], [sflag:$0x2] =	stream.indirect_vreg.gather [hbm4b:s6+s3], $0x80, v3, vm0, $0xb8;
	[tilespmem:$0x1A400] =	vst v63  }
0x1c1: {  	v3 =	vld [tilespmem:s12+$0xFFFFFFC8];
	_ =	sdelay $0x4  }
0x1c2: {  	v59 =	vshll.u32 v3, $0x2  }
0x1c3: {  	v3 =	vand.u32 $0x7, v3;
	v4 =	vand.u32 $0xFFFFFFE0, v59  }
0x1c4: {  	v3 =	vor.u32 v3, v4  }
0x1c5: {  	v4 =	vperm.xlane v3, v0;
	_ =	sdelay $0x1  }
0x1c6: {  	v4 =	vadd.s32 v1, v4;
	_ =	sdelay $0x1  }
0x1c7: {  	v3 =	vperm.xlane v3, v2;
	_ =	sdelay $0x1  }
0x1c8: {  	s15 =	simm.s32 $0xD400;
	v3 =	vadd.s32 v1, v3  }
0x1c9: {  	[tilespmem:s15], [sflag:$0x2] =	stream.indirect_vreg.gather [hbm4b:s2+s3], $0x80, v4, vm0, $0xb8;
	[tilespmem:$0x1A400] =	vst v63  }
0x1ca: {  	s19 =	simm.s32 $0xDC00  }
0x1cb: {  	[tilespmem:s19], [sflag:$0x2] =	stream.indirect_vreg.gather [hbm4b:s6+s3], $0x80, v4, vm0, $0xb8;
	[tilespmem:$0x1A400] =	vst v63  }
0x1cc: {  	_ = 	snop  }
0x1cd: {  	[tilespmem:s20], [sflag:$0x2] =	stream.indirect_vreg.gather [hbm4b:s2+s3], $0x80, v3, vm0, $0xb8;
	[tilespmem:$0x1A400] =	vst v63  }
0x1ce: {  	_ = 	snop  }
0x1cf: {  	[tilespmem:s16], [sflag:$0x2] =	stream.indirect_vreg.gather [hbm4b:s6+s3], $0x80, v3, vm0, $0xb8;
	[tilespmem:$0x1A400] =	vst v63  }
0x1d0: {  	v3 =	vld.msk [tilespmem:s12+$0xFFFFFFD8], $0xff;
	_ =	sdelay $0x4  }
0x1d1: {  	v60 =	vshll.u32 v3, $0x2  }
0x1d2: {  	v3 =	vand.u32 $0x7, v3;
	v4 =	vand.u32 $0xFFFFFFE0, v60  }
0x1d3: {  	v3 =	vor.u32 v3, v4  }
0x1d4: {  	v3 =	vperm.xlane v3, v0;
	_ =	sdelay $0x1  }
0x1d5: {  	v3 =	vadd.s32 v1, v3;
	_ =	sdelay $0x3  }
0x1d6: {  	s15 =	simm.s32 $0xF400  }
0x1d7: {  	[tilespmem:s15], [sflag:$0x2] =	stream.indirect_vreg.gather [hbm4b:s2+s3], $0x80, v3, vm0, $0xb8;
	[tilespmem:$0x1A400] =	vst v63  }
0x1d8: {  	s15 =	simm.s32 $0xFC00  }
0x1d9: {  	[tilespmem:s15], [sflag:$0x2] =	stream.indirect_vreg.gather [hbm4b:s6+s3], $0x80, v3, vm0, $0xb8;
	[tilespmem:$0x1A400] =	vst v63  }
0x1da: {  	_ =	swait.ge [sflag:s7], $0x5000  }
0x1db: {  	[sflag:s7] =	ssyncset.done $0x0  }
0x1dc: {  	s5 =	sadd.s32 $0x3C00, s14;
	s15 =	simm.s32 $0x10400;
	[sflag:s7] =	ssyncadd.s32 $0xFFFFB000  }
0x1dd: {  	[hbm4b:s5+s3] =	stream.linear.scatter [tilespmem:s15], [sflag:$0x7], $0x5000, $0x38;
	[tilespmem:$0x1A400] =	vst v63  }
0x1de: {  	_ =	swait.ge [sflag:s8], $0x5000  }
0x1df: {  	[sflag:s8] =	ssyncset.done $0x0  }
0x1e0: {  	[sflag:s8] =	ssyncadd.s32 $0xFFFFB000  }
0x1e1: {  	v3 =	vld [tilespmem:s12+$0xFFFFFFE0];
	_ =	sdelay $0x4  }
0x1e2: {  	v61 =	vshll.u32 v3, $0x2  }
0x1e3: {  	v3 =	vand.u32 $0x7, v3;
	v4 =	vand.u32 $0xFFFFFFE0, v61  }
0x1e4: {  	v3 =	vor.u32 v3, v4  }
0x1e5: {  	v4 =	vperm.xlane v3, v0;
	_ =	sdelay $0x1  }
0x1e6: {  	v4 =	vadd.s32 v1, v4;
	_ =	sdelay $0x1  }
0x1e7: {  	v3 =	vperm.xlane v3, v2;
	_ =	sdelay $0x1  }
0x1e8: {  	v3 =	vadd.s32 v1, v3  }
0x1e9: {  	[tilespmem:s15], [sflag:$0x3] =	stream.indirect_vreg.gather [hbm4b:s2+s3], $0x80, v4, vm0, $0xb8;
	[tilespmem:$0x1A400] =	vst v63  }
0x1ea: {  	s15 =	simm.s32 $0x10C00  }
0x1eb: {  	[tilespmem:s15], [sflag:$0x3] =	stream.indirect_vreg.gather [hbm4b:s6+s3], $0x80, v4, vm0, $0xb8;
	[tilespmem:$0x1A400] =	vst v63  }
0x1ec: {  	s15 =	simm.s32 $0x11400  }
0x1ed: {  	[tilespmem:s15], [sflag:$0x3] =	stream.indirect_vreg.gather [hbm4b:s2+s3], $0x80, v3, vm0, $0xb8;
	[tilespmem:$0x1A400] =	vst v63  }
0x1ee: {  	s15 =	simm.s32 $0x11C00  }
0x1ef: {  	[tilespmem:s15], [sflag:$0x3] =	stream.indirect_vreg.gather [hbm4b:s6+s3], $0x80, v3, vm0, $0xb8;
	[tilespmem:$0x1A400] =	vst v63  }
0x1f0: {  	v3 =	vld [tilespmem:s12+$0xFFFFFFF0];
	_ =	sdelay $0x4  }
0x1f1: {  	v62 =	vshll.u32 v3, $0x2  }
0x1f2: {  	v3 =	vand.u32 $0x7, v3;
	v4 =	vand.u32 $0xFFFFFFE0, v62  }
0x1f3: {  	v3 =	vor.u32 v3, v4  }
0x1f4: {  	v4 =	vperm.xlane v3, v0;
	_ =	sdelay $0x1  }
0x1f5: {  	v4 =	vadd.s32 v1, v4;
	_ =	sdelay $0x1  }
0x1f6: {  	v3 =	vperm.xlane v3, v2;
	_ =	sdelay $0x1  }
0x1f7: {  	s15 =	simm.s32 $0x12400;
	v3 =	vadd.s32 v1, v3  }
0x1f8: {  	[tilespmem:s15], [sflag:$0x3] =	stream.indirect_vreg.gather [hbm4b:s2+s3], $0x80, v4, vm0, $0xb8;
	[tilespmem:$0x1A400] =	vst v63  }
0x1f9: {  	s15 =	simm.s32 $0x12C00  }
0x1fa: {  	[tilespmem:s15], [sflag:$0x3] =	stream.indirect_vreg.gather [hbm4b:s6+s3], $0x80, v4, vm0, $0xb8;
	[tilespmem:$0x1A400] =	vst v63  }
0x1fb: {  	s15 =	simm.s32 $0x13400  }
0x1fc: {  	[tilespmem:s15], [sflag:$0x3] =	stream.indirect_vreg.gather [hbm4b:s2+s3], $0x80, v3, vm0, $0xb8;
	[tilespmem:$0x1A400] =	vst v63  }
0x1fd: {  	s15 =	simm.s32 $0x13C00  }
0x1fe: {  	[tilespmem:s15], [sflag:$0x3] =	stream.indirect_vreg.gather [hbm4b:s6+s3], $0x80, v3, vm0, $0xb8;
	[tilespmem:$0x1A400] =	vst v63  }
0x1ff: {  	v3 =	vld.msk [tilespmem:s12+$0x0], $0xff;
	_ =	sdelay $0x4  }
0x200: {  	v63 =	vshll.u32 v3, $0x2  }
0x201: {  	v3 =	vand.u32 $0x7, v3;
	v4 =	vand.u32 $0xFFFFFFE0, v63  }
0x202: {  	v3 =	vor.u32 v3, v4  }
0x203: {  	v3 =	vperm.xlane v3, v0;
	_ =	sdelay $0x1  }
0x204: {  	v3 =	vadd.s32 v1, v3;
	_ =	sdelay $0x3  }
0x205: {  	s15 =	simm.s32 $0x14400  }
0x206: {  	[tilespmem:s15], [sflag:$0x3] =	stream.indirect_vreg.gather [hbm4b:s2+s3], $0x80, v3, vm0, $0xb8;
	[tilespmem:$0x1A400] =	vst v63  }
0x207: {  	p0 =	sne.s32 s13, $0x188800;
	s15 =	simm.s32 $0x14C00  }
0x208: {  	[tilespmem:s15], [sflag:$0x3] =	stream.indirect_vreg.gather [hbm4b:s6+s3], $0x80, v3, vm0, $0xb8;
	[tilespmem:$0x1A400] =	vst v63  }
.Ltmp0:
0x209: {  	_ = 	snop;
	(pc) =	sbr.rel @p0 .LBB2_2-.Ltmp0, $4  }
0x20a: {  	s28 =	simm.s32 $0x10400;
	s13 =	sadd.s32 $0x2800, s13;
	_ =	swait.ge [sflag:s10], $0x5000  }
0x20b: {  	s26 =	simm.s32 $0x6400;
	s9 =	simm.s32 $0xB400;
	[sflag:s10] =	ssyncset.done $0x0  }
0x20c: {  	s12 =	sadd.s32 $0xA0, s12;
	s15 =	sadd.s32 $0x4600, s14;
	[sflag:s10] =	ssyncadd.s32 $0xFFFFB000  }
0x20d: {  	[hbm4b:s15+s3] =	stream.linear.scatter [tilespmem:s23], [sflag:$0x8], $0x5000, $0x38;
	[tilespmem:$0x1A400] =	vst v63  }
0x20e: {  	_ =	swait.ge [sflag:s11], $0x5000  }
0x20f: {  	[sflag:s11] =	ssyncset.done $0x0  }
0x210: {  	[sflag:s11] =	ssyncadd.s32 $0xFFFFB000  }
0x211: {  	v3 =	vld [tilespmem:$0x63D8];
	_ =	sdelay $0x4  }
0x212: {  	v4 =	vshll.u32 v3, $0x2  }
0x213: {  	v3 =	vand.u32 $0x7, v3;
	v4 =	vand.u32 $0xFFFFFFE0, v4  }
0x214: {  	v3 =	vor.u32 v3, v4  }
0x215: {  	v4 =	vperm.xlane v3, v0;
	_ =	sdelay $0x1  }
0x216: {  	v4 =	vadd.s32 v1, v4;
	_ =	sdelay $0x1  }
0x217: {  	v3 =	vperm.xlane v3, v2;
	_ =	sdelay $0x1  }
0x218: {  	s12 =	simm.s32 $0x15400;
	v3 =	vadd.s32 v1, v3  }
0x219: {  	[tilespmem:s12], [sflag:$0x4] =	stream.indirect_vreg.gather [hbm4b:s2+s3], $0x80, v4, vm0, $0xb8;
	[tilespmem:$0x1A400] =	vst v63  }
0x21a: {  	s5 =	simm.s32 $0x15C00  }
0x21b: {  	[tilespmem:s5], [sflag:$0x4] =	stream.indirect_vreg.gather [hbm4b:s6+s3], $0x80, v4, vm0, $0xb8;
	[tilespmem:$0x1A400] =	vst v63  }
0x21c: {  	s25 =	simm.s32 $0x16400  }
0x21d: {  	[tilespmem:s25], [sflag:$0x4] =	stream.indirect_vreg.gather [hbm4b:s2+s3], $0x80, v3, vm0, $0xb8;
	[tilespmem:$0x1A400] =	vst v63  }
0x21e: {  	s13 =	simm.s32 $0x16C00  }
0x21f: {  	[tilespmem:s13], [sflag:$0x4] =	stream.indirect_vreg.gather [hbm4b:s6+s3], $0x80, v3, vm0, $0xb8;
	[tilespmem:$0x1A400] =	vst v63  }
0x220: {  	v3 =	vld [tilespmem:$0x63E8];
	_ =	sdelay $0x4  }
0x221: {  	v62 =	vshll.u32 v3, $0x2  }
0x222: {  	v3 =	vand.u32 $0x7, v3;
	v4 =	vand.u32 $0xFFFFFFE0, v62  }
0x223: {  	v3 =	vor.u32 v3, v4  }
0x224: {  	v4 =	vperm.xlane v3, v0;
	_ =	sdelay $0x1  }
0x225: {  	v4 =	vadd.s32 v1, v4;
	_ =	sdelay $0x1  }
0x226: {  	v3 =	vperm.xlane v3, v2;
	_ =	sdelay $0x1  }
0x227: {  	s14 =	simm.s32 $0x17400;
	v3 =	vadd.s32 v1, v3  }
0x228: {  	[tilespmem:s14], [sflag:$0x4] =	stream.indirect_vreg.gather [hbm4b:s2+s3], $0x80, v4, vm0, $0xb8;
	[tilespmem:$0x1A400] =	vst v63  }
0x229: {  	s15 =	simm.s32 $0x17C00  }
0x22a: {  	[tilespmem:s15], [sflag:$0x4] =	stream.indirect_vreg.gather [hbm4b:s6+s3], $0x80, v4, vm0, $0xb8;
	[tilespmem:$0x1A400] =	vst v63  }
0x22b: {  	s16 =	simm.s32 $0x18400  }
0x22c: {  	[tilespmem:s16], [sflag:$0x4] =	stream.indirect_vreg.gather [hbm4b:s2+s3], $0x80, v3, vm0, $0xb8;
	[tilespmem:$0x1A400] =	vst v63  }
0x22d: {  	s17 =	simm.s32 $0x18C00  }
0x22e: {  	[tilespmem:s17], [sflag:$0x4] =	stream.indirect_vreg.gather [hbm4b:s6+s3], $0x80, v3, vm0, $0xb8;
	[tilespmem:$0x1A400] =	vst v63  }
0x22f: {  	v3 =	vld.msk [tilespmem:$0x63F8], $0xff;
	_ =	sdelay $0x4  }
0x230: {  	v63 =	vshll.u32 v3, $0x2  }
0x231: {  	v3 =	vand.u32 $0x7, v3;
	v4 =	vand.u32 $0xFFFFFFE0, v63  }
0x232: {  	v3 =	vor.u32 v3, v4  }
0x233: {  	v3 =	vperm.xlane v3, v0;
	_ =	sdelay $0x1  }
0x234: {  	v3 =	vadd.s32 v1, v3;
	_ =	sdelay $0x3  }
0x235: {  	s18 =	simm.s32 $0x19400  }
0x236: {  	[tilespmem:s18], [sflag:$0x4] =	stream.indirect_vreg.gather [hbm4b:s2+s3], $0x80, v3, vm0, $0xb8;
	[tilespmem:$0x1A400] =	vst v63  }
0x237: {  	s20 =	simm.s32 $0x19C00  }
0x238: {  	[tilespmem:s20], [sflag:$0x4] =	stream.indirect_vreg.gather [hbm4b:s6+s3], $0x80, v3, vm0, $0xb8;
	[tilespmem:$0x1A400] =	vst v63  }
0x239: {  	_ =	swait.ge [sflag:s31], $0x5000  }
0x23a: {  	[sflag:s31] =	ssyncset.done $0x0  }
0x23b: {  	s21 =	rddreg [dreg:$0xa];
	[sflag:s31] =	ssyncadd.s32 $0xFFFFB000  }
0x23c: {  	[hbm4b:s21+s3] =	stream.linear.scatter [tilespmem:s26], [sflag:$0x5], $0x5000, $0x38;
	[tilespmem:$0x1A400] =	vst v63  }
0x23d: {  	_ =	swait.ge [sflag:s0], $0x5000  }
0x23e: {  	[sflag:s0] =	ssyncset.done $0x0  }
0x23f: {  	s22 =	rddreg [dreg:$0xb];
	[sflag:s0] =	ssyncadd.s32 $0xFFFFB000  }
0x240: {  	[hbm4b:s22+s3] =	stream.linear.scatter [tilespmem:s9], [sflag:$0x6], $0x5000, $0x38;
	[tilespmem:$0x1A400] =	vst v63  }
0x241: {  	_ =	swait.ge [sflag:s1], $0x5000  }
0x242: {  	[sflag:s1] =	ssyncset.done $0x0  }
0x243: {  	[sflag:s1] =	ssyncadd.s32 $0xFFFFB000  }
0x244: {  	_ =	swait.ge [sflag:s7], $0x5000  }
0x245: {  	[sflag:s7] =	ssyncset.done $0x0  }
0x246: {  	s23 =	rddreg [dreg:$0xc];
	[sflag:s7] =	ssyncadd.s32 $0xFFFFB000  }
0x247: {  	[hbm4b:s23+s3] =	stream.linear.scatter [tilespmem:s28], [sflag:$0x7], $0x5000, $0x38;
	[tilespmem:$0x1A400] =	vst v63  }
0x248: {  	_ =	swait.ge [sflag:s4], $0x5000  }
0x249: {  	[sflag:s4] =	ssyncset.done $0x0  }
0x24a: {  	[sflag:s4] =	ssyncadd.s32 $0xFFFFB000  }
0x24b: {  	_ =	swait.ge [sflag:s10], $0x5000  }
0x24c: {  	[sflag:s10] =	ssyncset.done $0x0  }
0x24d: {  	s24 =	rddreg [dreg:$0xd];
	[sflag:s10] =	ssyncadd.s32 $0xFFFFB000  }
0x24e: {  	[hbm4b:s24+s3] =	stream.linear.scatter [tilespmem:s12], [sflag:$0x8], $0x5000, $0x38;
	[tilespmem:$0x1A400] =	vst v63  }
0x24f: {  	_ =	swait.ge [sflag:s8], $0x5000  }
0x250: {  	[sflag:s8] =	ssyncset.done $0x0  }
0x251: {  	[sflag:s8] =	ssyncadd.s32 $0xFFFFB000  }
0x252: {  	_ =	swait.ge [sflag:s11], $0x5000  }
0x253: {  	s30 =	simm.s32 $0xEC00;
	s25 =	rddreg [dreg:$0xf]  }
0x254: {  	s29 =	simm.s32 $0xF400;
	s26 =	rddreg [dreg:$0xe];
	s9 =	sadd.s32 $0x1, s25  }
0x255: {  	s13 =	simm.s32 $0x7400;
	s14 =	simm.s32 $0x7C00;
	p0 =	sne.s32 s9, s26  }
.Ltmp1:
0x256: {  	s15 =	simm.s32 $0x8400;
	s17 =	simm.s32 $0x8C00;
	(pc) =	sbr.rel @p0 .LBB2_1-.Ltmp1, $4  }
0x257: {  	s18 =	simm.s32 $0x9400;
	s20 =	simm.s32 $0x9C00;
	s21 =	simm.s32 $0xA400  }
0x258: {  	s22 =	simm.s32 $0xAC00;
	s23 =	simm.s32 $0xBC00;
	s28 =	simm.s32 $0xD400  }
0x259: {  	s12 =	simm.s32 $0x6C00;
	s24 =	simm.s32 $0xC400;
	[sflag:s11] =	ssyncset.done $0x0  }
0x25a: {  	[sflag:s11] =	ssyncadd.s32 $0xFFFFB000;
	s25 =	simm.s32 $0xCC00;
	s26 =	simm.s32 $0xE400  }
0x25b: {  	_ =	sfence.sel $0x180000  }
0x25c: {  	[bflag:$0x0] =	sbarrier.arrive $0xFFFF  }
0x25d: {  	_ =	strace $0x90000047  }
0x25e: {  	s0 =	stileid.u32;
	[bflag:$0x2] =	sbarrier.arrive $0xFFFF  }
0x25f: {  	p0 =	sne.s32 s0, $0x0;
	s0 =	rddreg [dreg:$0x3]  }
0x260: {  	s0 =	sadd.s32 @!p0 $0x100000, s0  }
0x261: {  	[sflag:s0] =	ssyncadd.tile.s32 @!p0 $0x1;
	_ =	shalt  }
.Lfunc_end2:
_tile_overlayer_lowered:
.L_overlay_start_2:
0x262: {  	(tag) =	ssettag $0x2  }
0x263: {  	s0 =	rddreg [dreg:$0x0];
	s2 =	stileid.u32  }
0x264: {  	s1 =	rddreg [dreg:$0x1];
	p0 =	sne.s32 s2, $0x0  }
0x265: {  	s3 =	rddreg [dreg:$0x2];
	[bflag:$0x3] =	sbarrier.arrive $0xFFFF;
	s2 =	simm.s32 @!p0 $0x1C09  }
0x266: {  	[timem:s3], [sflag:s2] =	dma.local @!p0 [hbm:s0], s1  }
0x267: {  	s0 =	simm.s32 @!p0 $0x9  }
0x268: {  	_ =	swait.ge @!p0 [sflag:s0], s1  }
0x269: {  	s1 =	ssub.s32 @!p0 $0x0, s1;
	[sflag:s0] =	ssyncset.done @!p0 $0x0  }
0x26a: {  	[sflag:s0] =	ssyncadd.s32 @!p0 s1  }
0x26b: {  	[bflag:$0x3] =	sbarrier.arrive $0xFFFF  }
0x26c: {  	_ =	shalt  }

</sc_bundles>
